<compile_context>
chip_gen: v7x
topology: tpu7x:2x2x1
jax: 0.10.2.dev20260603
libtpu: 0.0.44.dev20260713+nightly
codegen_flags: <defaults>
</compile_context>

<pallas_src>
import functools

import jax
import jax.numpy as jnp
from jax import lax
from jax.experimental import pallas as pl
from jax.experimental.pallas import tpu as pltpu
from jax.experimental.pallas import tpu_sc as plsc

N = 4194304
NC = 2
NS = 16
L = 16
NW = NC * NS
CHUNK = N // NW
CSUB = 32768
CNG = CHUNK // (2 * CSUB)
SUB = 16384
NG = CHUNK // (2 * SUB)

_mesh = plsc.VectorSubcoreMesh(
    core_axis_name="c", subcore_axis_name="s", num_cores=NC, num_subcores=NS
)


_TCROWS = 4096
_TCGRID = N // 128 // _TCROWS


def _count_tc_body(seq_ref, out_ref, acc_ref):
    i = pl.program_id(0)

    @pl.when(i == 0)
    def _():
        acc_ref[...] = jnp.zeros((_TCROWS, 128), jnp.int32)

    acc_ref[...] += (seq_ref[...] == 1).astype(jnp.int32)

    @pl.when(i == _TCGRID - 1)
    def _():
        out_ref[...] = jnp.full((L,), jnp.sum(acc_ref[...]), jnp.int32)


def _scale_body(
    seq_hbm, part_hbm, p_hbm, out_hbm,
    pbuf, sbuf, in0, in1, r0a, r0b, r1a, r1b,
    isem0, isem1, os00, os01, os10, os11,
):
    wid = lax.axis_index("s") * NC + lax.axis_index("c")
    base = wid * CHUNK
    ibufs = (in0, in1)
    isems = (isem0, isem1)
    r0bufs = (r0a, r0b)
    r1bufs = (r1a, r1b)
    osems = ((os00, os01), (os10, os11))

    for b in range(2):
        pltpu.async_copy(
            seq_hbm.at[pl.ds(base + b * SUB, SUB)], ibufs[b], isems[b]
        )

    pltpu.sync_copy(part_hbm, pbuf)
    pltpu.sync_copy(p_hbm, sbuf)
    tot_f = pbuf[...].astype(jnp.float32)
    p_vec = sbuf[...]
    a_vec = p_vec / tot_f
    b_vec = (jnp.float32(1.0) - p_vec) / tot_f
    zero = jnp.zeros((L,), jnp.float32)

    def group(g, carry):
        for b in range(2):
            pltpu.make_async_copy(
                seq_hbm.at[pl.ds(base, SUB)], ibufs[b], isems[b]
            ).wait()

            @pl.when(g >= 1)
            def _(b=b):
                off0 = base
                pltpu.make_async_copy(
                    r0bufs[b], out_hbm.at[0, pl.ds(off0, SUB)], osems[0][b]
                ).wait()
                pltpu.make_async_copy(
                    r1bufs[b], out_hbm.at[1, pl.ds(off0, SUB)], osems[1][b]
                ).wait()

            @plsc.parallel_loop(0, SUB // L, step=4, unroll=4)
            def _(i, ibuf=ibufs[b], r0=r0bufs[b], r1=r1bufs[b]):
                for u in range(4):
                    off = (i + u) * L
                    x = ibuf[pl.ds(off, L)]
                    m = x == 1
                    r0[pl.ds(off, L)] = jnp.where(m, a_vec, zero)
                    r1[pl.ds(off, L)] = jnp.where(m, b_vec, zero)

            off = base + (2 * g + b) * SUB
            pltpu.async_copy(
                r0bufs[b], out_hbm.at[0, pl.ds(off, SUB)], osems[0][b]
            )
            pltpu.async_copy(
                r1bufs[b], out_hbm.at[1, pl.ds(off, SUB)], osems[1][b]
            )

            @pl.when(g + 1 < NG)
            def _(b=b):
                pltpu.async_copy(
                    seq_hbm.at[pl.ds(base + ((g + 1) * 2 + b) * SUB, SUB)],
                    ibufs[b],
                    isems[b],
                )

        return carry

    lax.fori_loop(0, NG, group, jnp.int32(0))
    for b in range(2):
        pltpu.make_async_copy(
            r0bufs[b], out_hbm.at[0, pl.ds(base, SUB)], osems[0][b]
        ).wait()
        pltpu.make_async_copy(
            r1bufs[b], out_hbm.at[1, pl.ds(base, SUB)], osems[1][b]
        ).wait()


_params = pltpu.CompilerParams(needs_layout_passes=False)

_count_call = pl.pallas_call(
    _count_tc_body,
    grid=(_TCGRID,),
    in_specs=[pl.BlockSpec((_TCROWS, 128), lambda i: (i, 0))],
    out_specs=pl.BlockSpec((L,), lambda i: (0,)),
    out_shape=jax.ShapeDtypeStruct((L,), jnp.int32),
    scratch_shapes=[pltpu.VMEM((_TCROWS, 128), jnp.int32)],
)

_scale_call = pl.kernel(
    _scale_body,
    out_type=jax.ShapeDtypeStruct((2, N), jnp.float32),
    mesh=_mesh,
    compiler_params=_params,
    scratch_types=[
        pltpu.VMEM((L,), jnp.int32),
        pltpu.VMEM((L,), jnp.float32),
        pltpu.VMEM((SUB,), jnp.int32),
        pltpu.VMEM((SUB,), jnp.int32),
        pltpu.VMEM((SUB,), jnp.float32),
        pltpu.VMEM((SUB,), jnp.float32),
        pltpu.VMEM((SUB,), jnp.float32),
        pltpu.VMEM((SUB,), jnp.float32),
        pltpu.SemaphoreType.DMA,
        pltpu.SemaphoreType.DMA,
        pltpu.SemaphoreType.DMA,
        pltpu.SemaphoreType.DMA,
        pltpu.SemaphoreType.DMA,
        pltpu.SemaphoreType.DMA,
    ],
)


def kernel(sequence, replication_prob, ber_short_patch_prob, ber_long_patch_prob):
    seq = sequence.astype(jnp.int32)
    p16 = jnp.broadcast_to(replication_prob.astype(jnp.float32), (L,))
    partials = _count_call(seq.reshape(N // 128, 128))
    return _scale_call(seq, partials, p16)

# --- scband reference (transcript-rebuilt; emitter-appended) ---
"""Pipeline reference for scband-two-phase-model-56229711839833 (READ-ONLY COPY).

The authoritative reference and input builder live on the scoring server;
editing this copy changes nothing except your own understanding.
"""

import jax, jax.numpy as jnp
import numpy as np

N = 4194304
C_CODE = 1  # base encoding: A=0, C=1, G=2, T=3; regex motif 'C' -> positions where code == 1


def setup_inputs(seed: int = 0) -> dict:
    key = jax.random.key(seed)
    k1, k2, k3, k4 = jax.random.split(key, 4)
    sequence = jax.random.randint(k1, (N,), 0, 4, dtype=jnp.int64)
    replication_prob = jax.random.uniform(k2, (1,), dtype=jnp.float32)
    ber_short_patch_prob = jax.random.uniform(k3, (1,), dtype=jnp.float32)
    ber_long_patch_prob = jax.random.uniform(k4, (1,), dtype=jnp.float32)
    return {
        "sequence": sequence,
        "replication_prob": replication_prob,
        "ber_short_patch_prob": ber_short_patch_prob,
        "ber_long_patch_prob": ber_long_patch_prob,
    }


def reference(sequence, replication_prob, ber_short_patch_prob, ber_long_patch_prob):
    # Phase1: zeros(len(sequence)); scatter-set 1.0 at motif ('C') positions; normalize.
    n = sequence.shape[0]
    targeting_probs = jnp.zeros((n,), dtype=jnp.float32)
    # scatter-overwrite at motif positions (mask-equivalent of probs[positions] = 1)
    targeting_probs = jnp.where(sequence == C_CODE, jnp.float32(1.0), targeting_probs)
    targeting_probs = targeting_probs / targeting_probs.sum()
    # Phase2: scale by learned replication probability.
    replication_probs = targeting_probs * replication_prob
    ber_or_mmr_probs = targeting_probs * (1.0 - replication_prob)
    return jnp.vstack([replication_probs, ber_or_mmr_probs])

if __name__ == "__main__":
    import jax
    _d = setup_inputs()
    print(jax.jit(kernel)(*tuple(_d.values())))

</pallas_src>

<mosaic_0001>
#map = affine_map<(d0, d1) -> (0)>
#map1 = affine_map<(d0, d1) -> (0, 0)>
module attributes {stable_mosaic.version = 14 : i64} {
  func.func @_scale_body(%arg0: i32, %arg1: i32, %arg2: memref<4194304xi32, #tpu.memory_space<hbm>>, %arg3: memref<16xi32, #tpu.memory_space<hbm>>, %arg4: memref<16xf32, #tpu.memory_space<hbm>>, %arg5: memref<2x4194304xf32, #tpu.memory_space<hbm>>, %arg6: memref<16xi32, #tpu.memory_space<vmem>>, %arg7: memref<16xf32, #tpu.memory_space<vmem>>, %arg8: memref<16384xi32, #tpu.memory_space<vmem>>, %arg9: memref<16384xi32, #tpu.memory_space<vmem>>, %arg10: memref<16384xf32, #tpu.memory_space<vmem>>, %arg11: memref<16384xf32, #tpu.memory_space<vmem>>, %arg12: memref<16384xf32, #tpu.memory_space<vmem>>, %arg13: memref<16384xf32, #tpu.memory_space<vmem>>, %arg14: memref<!tpu.dma_semaphore, #tpu.memory_space<semaphore_mem>>, %arg15: memref<!tpu.dma_semaphore, #tpu.memory_space<semaphore_mem>>, %arg16: memref<!tpu.dma_semaphore, #tpu.memory_space<semaphore_mem>>, %arg17: memref<!tpu.dma_semaphore, #tpu.memory_space<semaphore_mem>>, %arg18: memref<!tpu.dma_semaphore, #tpu.memory_space<semaphore_mem>>, %arg19: memref<!tpu.dma_semaphore, #tpu.memory_space<semaphore_mem>>) attributes {dimension_semantics = [#tpu.dimension_semantics<core_parallel>, #tpu.dimension_semantics<subcore_parallel>], iteration_bounds = array<i64: 2, 16>, scalar_prefetch = 0 : i64, scratch_operands = 14 : i64, tpu.core_type = #tpu.core_type<sc_vector_subcore>, window_params = [{transform_indices = #map}, {transform_indices = #map}, {transform_indices = #map}, {transform_indices = #map1}]} {
    %mul3A = arith.constant 2 : i32
    %mul3A_0 = arith.muli %arg1, %mul3A : i32
    %add3A = arith.addi %mul3A_0, %arg0 : i32
    %mul3A_1 = arith.constant 131072 : i32
    %mul3A_2 = arith.muli %add3A, %mul3A_1 : i32
    %add3A_3 = arith.constant 0 : i32
    %add3A_4 = arith.addi %mul3A_2, %add3A_3 : i32
    %dma_start3A = tpu.memref_slice %arg2[%add3A_4] : memref<4194304xi32, #tpu.memory_space<hbm>> -> memref<16384xi32, #tpu.memory_space<hbm>>
    %dma_start3A_5 = tpu.memref_slice %arg2[%add3A_4] : memref<4194304xi32, #tpu.memory_space<hbm>> -> memref<16384xi32, #tpu.memory_space<hbm>>
    tpu.enqueue_dma source(%dma_start3A_5 : memref<16384xi32, #tpu.memory_space<hbm>>) target(%arg8 : memref<16384xi32, #tpu.memory_space<vmem>>) target_semaphore(%arg14 : memref<!tpu.dma_semaphore, #tpu.memory_space<semaphore_mem>>)
    %add3A_6 = arith.constant 16384 : i32
    %add3A_7 = arith.addi %mul3A_2, %add3A_6 : i32
    %dma_start3A_8 = tpu.memref_slice %arg2[%add3A_7] : memref<4194304xi32, #tpu.memory_space<hbm>> -> memref<16384xi32, #tpu.memory_space<hbm>>
    %dma_start3A_9 = tpu.memref_slice %arg2[%add3A_7] : memref<4194304xi32, #tpu.memory_space<hbm>> -> memref<16384xi32, #tpu.memory_space<hbm>>
    tpu.enqueue_dma source(%dma_start3A_9 : memref<16384xi32, #tpu.memory_space<hbm>>) target(%arg9 : memref<16384xi32, #tpu.memory_space<vmem>>) target_semaphore(%arg15 : memref<!tpu.dma_semaphore, #tpu.memory_space<semaphore_mem>>)
    "tpu.region"() ({
      %run_scoped3A = tpu.sem_alloc : memref<!tpu.dma_semaphore, #tpu.memory_space<semaphore_mem>>
      tpu.enqueue_dma source(%arg3 : memref<16xi32, #tpu.memory_space<hbm>>) target(%arg6 : memref<16xi32, #tpu.memory_space<vmem>>) target_semaphore(%run_scoped3A : memref<!tpu.dma_semaphore, #tpu.memory_space<semaphore_mem>>)
      tpu.wait_dma2 semaphore(%run_scoped3A : memref<!tpu.dma_semaphore, #tpu.memory_space<semaphore_mem>>) src(%arg3 : memref<16xi32, #tpu.memory_space<hbm>>) dst(%arg6 : memref<16xi32, #tpu.memory_space<vmem>>)
      tpu.yield
    }) : () -> ()
    "tpu.region"() ({
      %run_scoped3A = tpu.sem_alloc : memref<!tpu.dma_semaphore, #tpu.memory_space<semaphore_mem>>
      tpu.enqueue_dma source(%arg4 : memref<16xf32, #tpu.memory_space<hbm>>) target(%arg7 : memref<16xf32, #tpu.memory_space<vmem>>) target_semaphore(%run_scoped3A : memref<!tpu.dma_semaphore, #tpu.memory_space<semaphore_mem>>)
      tpu.wait_dma2 semaphore(%run_scoped3A : memref<!tpu.dma_semaphore, #tpu.memory_space<semaphore_mem>>) src(%arg4 : memref<16xf32, #tpu.memory_space<hbm>>) dst(%arg7 : memref<16xf32, #tpu.memory_space<vmem>>)
      tpu.yield
    }) : () -> ()
    %get3A = arith.constant 0 : index
    %get3A_10 = tpu.vector_load %arg6[%get3A] {strides = array<i32>} : memref<16xi32, #tpu.memory_space<vmem>>, vector<16xi32>,
    %convert_element_type3A = arith.sitofp %get3A_10 : vector<16xi32> to vector<16xf32>
    %get3A_11 = arith.constant 0 : index
    %get3A_12 = tpu.vector_load %arg7[%get3A_11] {strides = array<i32>} : memref<16xf32, #tpu.memory_space<vmem>>, vector<16xf32>,
    %div3A = arith.divf %get3A_12, %convert_element_type3A : vector<16xf32>
    %sub3A = arith.constant 1.000000e+00 : f32
    %sub3A_13 = vector.broadcast %sub3A : f32 to vector<16xf32>
    %sub3A_14 = arith.subf %sub3A_13, %get3A_12 : vector<16xf32>
    %div3A_15 = arith.divf %sub3A_14, %convert_element_type3A : vector<16xf32>
    %broadcast_in_dim3A = arith.constant 0.000000e+00 : f32
    %broadcast_in_dim3A_16 = vector.broadcast %broadcast_in_dim3A : f32 to vector<16xf32>
    %scan3A = arith.constant 0 : i32
    %scan3A_17 = arith.constant 0 : i32
    %scan3A_18 = arith.constant 4 : i32
    %scan3A_19 = arith.addi %scan3A_17, %scan3A_18 : i32
    %scan3A_20 = arith.constant 1 : i32
    scf.for %scan3A_41 = %scan3A_17 to %scan3A_19 step %scan3A_20  : i32 {
      %dma_wait3A_42 = tpu.memref_slice %arg2[%mul3A_2] : memref<4194304xi32, #tpu.memory_space<hbm>> -> memref<16384xi32, #tpu.memory_space<hbm>>
      %dma_wait3A_43 = tpu.memref_slice %arg2[%mul3A_2] : memref<4194304xi32, #tpu.memory_space<hbm>> -> memref<16384xi32, #tpu.memory_space<hbm>>
      tpu.wait_dma2 semaphore(%arg14 : memref<!tpu.dma_semaphore, #tpu.memory_space<semaphore_mem>>) src(%dma_wait3A_43 : memref<16384xi32, #tpu.memory_space<hbm>>) dst(%arg8 : memref<16384xi32, #tpu.memory_space<vmem>>)
      %ge3A = arith.constant 1 : i32
      %ge3A_44 = arith.cmpi sge, %scan3A_41, %ge3A : i32
      %convert_element_type3A_45 = arith.extui %ge3A_44 : i1 to i32
      %cond3A = arith.constant 0 : i32
      %cond3A_46 = arith.cmpi ne, %convert_element_type3A_45, %cond3A : i32
      scf.if %cond3A_46 {
        %dma_wait3A_106 = arith.constant 0 : i32
        %dma_wait3A_107 = tpu.memref_slice %arg5[%dma_wait3A_106, %mul3A_2] : memref<2x4194304xf32, #tpu.memory_space<hbm>> -> memref<1x16384xf32, #tpu.memory_space<hbm>>
        %dma_wait3A_108 = tpu.memref_squeeze %dma_wait3A_107 : memref<1x16384xf32, #tpu.memory_space<hbm>> -> memref<16384xf32, #tpu.memory_space<hbm>>
        %dma_wait3A_109 = tpu.memref_slice %arg5[%dma_wait3A_106, %mul3A_2] : memref<2x4194304xf32, #tpu.memory_space<hbm>> -> memref<1x16384xf32, #tpu.memory_space<hbm>>
        %dma_wait3A_110 = tpu.memref_squeeze %dma_wait3A_109 : memref<1x16384xf32, #tpu.memory_space<hbm>> -> memref<16384xf32, #tpu.memory_space<hbm>>
        tpu.wait_dma2 semaphore(%arg16 : memref<!tpu.dma_semaphore, #tpu.memory_space<semaphore_mem>>) src(%arg10 : memref<16384xf32, #tpu.memory_space<vmem>>) dst(%dma_wait3A_110 : memref<16384xf32, #tpu.memory_space<hbm>>)
        %dma_wait3A_111 = arith.constant 1 : i32
        %dma_wait3A_112 = tpu.memref_slice %arg5[%dma_wait3A_111, %mul3A_2] : memref<2x4194304xf32, #tpu.memory_space<hbm>> -> memref<1x16384xf32, #tpu.memory_space<hbm>>
        %dma_wait3A_113 = tpu.memref_squeeze %dma_wait3A_112 : memref<1x16384xf32, #tpu.memory_space<hbm>> -> memref<16384xf32, #tpu.memory_space<hbm>>
        %dma_wait3A_114 = tpu.memref_slice %arg5[%dma_wait3A_111, %mul3A_2] : memref<2x4194304xf32, #tpu.memory_space<hbm>> -> memref<1x16384xf32, #tpu.memory_space<hbm>>
        %dma_wait3A_115 = tpu.memref_squeeze %dma_wait3A_114 : memref<1x16384xf32, #tpu.memory_space<hbm>> -> memref<16384xf32, #tpu.memory_space<hbm>>
        tpu.wait_dma2 semaphore(%arg18 : memref<!tpu.dma_semaphore, #tpu.memory_space<semaphore_mem>>) src(%arg12 : memref<16384xf32, #tpu.memory_space<vmem>>) dst(%dma_wait3A_115 : memref<16384xf32, #tpu.memory_space<hbm>>)
      } else {
      }
      %parallel_loop3A = arith.constant 0 : i32
      %parallel_loop3A_47 = arith.constant 1024 : i32
      %parallel_loop3A_48 = arith.constant 4 : i32
      scf.for %parallel_loop3A_106 = %parallel_loop3A to %parallel_loop3A_47 step %parallel_loop3A_48  : i32 {
        %parallel_loop3A_107 = arith.constant 0 : i32
        %parallel_loop3A_108 = arith.addi %parallel_loop3A_106, %parallel_loop3A_107 : i32
        %parallel_loop3A_109 = arith.constant 16 : i32
        %parallel_loop3A_110 = arith.muli %parallel_loop3A_108, %parallel_loop3A_109 : i32
        %parallel_loop3A_111 = arith.index_cast %parallel_loop3A_110 : i32 to index
        %parallel_loop3A_112 = tpu.vector_load %arg8[%parallel_loop3A_111] {strides = array<i32>} : memref<16384xi32, #tpu.memory_space<vmem>>, vector<16xi32>,
        %parallel_loop3A_113 = arith.constant 1 : i32
        %parallel_loop3A_114 = vector.broadcast %parallel_loop3A_113 : i32 to vector<16xi32>
        %parallel_loop3A_115 = arith.cmpi eq, %parallel_loop3A_112, %parallel_loop3A_114 : vector<16xi32>
        %parallel_loop3A_116 = arith.select %parallel_loop3A_115, %div3A, %broadcast_in_dim3A_16 : vector<16xi1>, vector<16xf32>
        %parallel_loop3A_117 = arith.index_cast %parallel_loop3A_110 : i32 to index
        %parallel_loop3A_118 = tpu.vector_load %arg10[%parallel_loop3A_117] {strides = array<i32>} : memref<16384xf32, #tpu.memory_space<vmem>>, vector<16xf32>,
        tpu.vector_store %arg10[%parallel_loop3A_117], %parallel_loop3A_116 {strides = array<i32>} : memref<16384xf32, #tpu.memory_space<vmem>>, vector<16xf32>,
        %parallel_loop3A_119 = arith.select %parallel_loop3A_115, %div3A_15, %broadcast_in_dim3A_16 : vector<16xi1>, vector<16xf32>
        %parallel_loop3A_120 = arith.index_cast %parallel_loop3A_110 : i32 to index
        %parallel_loop3A_121 = tpu.vector_load %arg12[%parallel_loop3A_120] {strides = array<i32>} : memref<16384xf32, #tpu.memory_space<vmem>>, vector<16xf32>,
        tpu.vector_store %arg12[%parallel_loop3A_120], %parallel_loop3A_119 {strides = array<i32>} : memref<16384xf32, #tpu.memory_space<vmem>>, vector<16xf32>,
        %parallel_loop3A_122 = arith.constant 1 : i32
        %parallel_loop3A_123 = arith.addi %parallel_loop3A_106, %parallel_loop3A_122 : i32
        %parallel_loop3A_124 = arith.constant 16 : i32
        %parallel_loop3A_125 = arith.muli %parallel_loop3A_123, %parallel_loop3A_124 : i32
        %parallel_loop3A_126 = arith.index_cast %parallel_loop3A_125 : i32 to index
        %parallel_loop3A_127 = tpu.vector_load %arg8[%parallel_loop3A_126] {strides = array<i32>} : memref<16384xi32, #tpu.memory_space<vmem>>, vector<16xi32>,
        %parallel_loop3A_128 = arith.constant 1 : i32
        %parallel_loop3A_129 = vector.broadcast %parallel_loop3A_128 : i32 to vector<16xi32>
        %parallel_loop3A_130 = arith.cmpi eq, %parallel_loop3A_127, %parallel_loop3A_129 : vector<16xi32>
        %parallel_loop3A_131 = arith.select %parallel_loop3A_130, %div3A, %broadcast_in_dim3A_16 : vector<16xi1>, vector<16xf32>
        %parallel_loop3A_132 = arith.index_cast %parallel_loop3A_125 : i32 to index
        %parallel_loop3A_133 = tpu.vector_load %arg10[%parallel_loop3A_132] {strides = array<i32>} : memref<16384xf32, #tpu.memory_space<vmem>>, vector<16xf32>,
        tpu.vector_store %arg10[%parallel_loop3A_132], %parallel_loop3A_131 {strides = array<i32>} : memref<16384xf32, #tpu.memory_space<vmem>>, vector<16xf32>,
        %parallel_loop3A_134 = arith.select %parallel_loop3A_130, %div3A_15, %broadcast_in_dim3A_16 : vector<16xi1>, vector<16xf32>
        %parallel_loop3A_135 = arith.index_cast %parallel_loop3A_125 : i32 to index
        %parallel_loop3A_136 = tpu.vector_load %arg12[%parallel_loop3A_135] {strides = array<i32>} : memref<16384xf32, #tpu.memory_space<vmem>>, vector<16xf32>,
        tpu.vector_store %arg12[%parallel_loop3A_135], %parallel_loop3A_134 {strides = array<i32>} : memref<16384xf32, #tpu.memory_space<vmem>>, vector<16xf32>,
        %parallel_loop3A_137 = arith.constant 2 : i32
        %parallel_loop3A_138 = arith.addi %parallel_loop3A_106, %parallel_loop3A_137 : i32
        %parallel_loop3A_139 = arith.constant 16 : i32
        %parallel_loop3A_140 = arith.muli %parallel_loop3A_138, %parallel_loop3A_139 : i32
        %parallel_loop3A_141 = arith.index_cast %parallel_loop3A_140 : i32 to index
        %parallel_loop3A_142 = tpu.vector_load %arg8[%parallel_loop3A_141] {strides = array<i32>} : memref<16384xi32, #tpu.memory_space<vmem>>, vector<16xi32>,
        %parallel_loop3A_143 = arith.constant 1 : i32
        %parallel_loop3A_144 = vector.broadcast %parallel_loop3A_143 : i32 to vector<16xi32>
        %parallel_loop3A_145 = arith.cmpi eq, %parallel_loop3A_142, %parallel_loop3A_144 : vector<16xi32>
        %parallel_loop3A_146 = arith.select %parallel_loop3A_145, %div3A, %broadcast_in_dim3A_16 : vector<16xi1>, vector<16xf32>
        %parallel_loop3A_147 = arith.index_cast %parallel_loop3A_140 : i32 to index
        %parallel_loop3A_148 = tpu.vector_load %arg10[%parallel_loop3A_147] {strides = array<i32>} : memref<16384xf32, #tpu.memory_space<vmem>>, vector<16xf32>,
        tpu.vector_store %arg10[%parallel_loop3A_147], %parallel_loop3A_146 {strides = array<i32>} : memref<16384xf32, #tpu.memory_space<vmem>>, vector<16xf32>,
        %parallel_loop3A_149 = arith.select %parallel_loop3A_145, %div3A_15, %broadcast_in_dim3A_16 : vector<16xi1>, vector<16xf32>
        %parallel_loop3A_150 = arith.index_cast %parallel_loop3A_140 : i32 to index
        %parallel_loop3A_151 = tpu.vector_load %arg12[%parallel_loop3A_150] {strides = array<i32>} : memref<16384xf32, #tpu.memory_space<vmem>>, vector<16xf32>,
        tpu.vector_store %arg12[%parallel_loop3A_150], %parallel_loop3A_149 {strides = array<i32>} : memref<16384xf32, #tpu.memory_space<vmem>>, vector<16xf32>,
        %parallel_loop3A_152 = arith.constant 3 : i32
        %parallel_loop3A_153 = arith.addi %parallel_loop3A_106, %parallel_loop3A_152 : i32
        %parallel_loop3A_154 = arith.constant 16 : i32
        %parallel_loop3A_155 = arith.muli %parallel_loop3A_153, %parallel_loop3A_154 : i32
        %parallel_loop3A_156 = arith.index_cast %parallel_loop3A_155 : i32 to index
        %parallel_loop3A_157 = tpu.vector_load %arg8[%parallel_loop3A_156] {strides = array<i32>} : memref<16384xi32, #tpu.memory_space<vmem>>, vector<16xi32>,
        %parallel_loop3A_158 = arith.constant 1 : i32
        %parallel_loop3A_159 = vector.broadcast %parallel_loop3A_158 : i32 to vector<16xi32>
        %parallel_loop3A_160 = arith.cmpi eq, %parallel_loop3A_157, %parallel_loop3A_159 : vector<16xi32>
        %parallel_loop3A_161 = arith.select %parallel_loop3A_160, %div3A, %broadcast_in_dim3A_16 : vector<16xi1>, vector<16xf32>
        %parallel_loop3A_162 = arith.index_cast %parallel_loop3A_155 : i32 to index
        %parallel_loop3A_163 = tpu.vector_load %arg10[%parallel_loop3A_162] {strides = array<i32>} : memref<16384xf32, #tpu.memory_space<vmem>>, vector<16xf32>,
        tpu.vector_store %arg10[%parallel_loop3A_162], %parallel_loop3A_161 {strides = array<i32>} : memref<16384xf32, #tpu.memory_space<vmem>>, vector<16xf32>,
        %parallel_loop3A_164 = arith.select %parallel_loop3A_160, %div3A_15, %broadcast_in_dim3A_16 : vector<16xi1>, vector<16xf32>
        %parallel_loop3A_165 = arith.index_cast %parallel_loop3A_155 : i32 to index
        %parallel_loop3A_166 = tpu.vector_load %arg12[%parallel_loop3A_165] {strides = array<i32>} : memref<16384xf32, #tpu.memory_space<vmem>>, vector<16xf32>,
        tpu.vector_store %arg12[%parallel_loop3A_165], %parallel_loop3A_164 {strides = array<i32>} : memref<16384xf32, #tpu.memory_space<vmem>>, vector<16xf32>,
      } {sc.loop_unroll_factor = 4 : i64, sc.parallel_access}
      %mul3A_49 = arith.constant 2 : i32
      %mul3A_50 = arith.muli %mul3A_49, %scan3A_41 : i32
      %add3A_51 = arith.constant 0 : i32
      %add3A_52 = arith.addi %mul3A_50, %add3A_51 : i32
      %mul3A_53 = arith.constant 16384 : i32
      %mul3A_54 = arith.muli %add3A_52, %mul3A_53 : i32
      %add3A_55 = arith.addi %mul3A_2, %mul3A_54 : i32
      %dma_start3A_56 = arith.constant 0 : i32
      %dma_start3A_57 = tpu.memref_slice %arg5[%dma_start3A_56, %add3A_55] : memref<2x4194304xf32, #tpu.memory_space<hbm>> -> memref<1x16384xf32, #tpu.memory_space<hbm>>
      %dma_start3A_58 = tpu.memref_squeeze %dma_start3A_57 : memref<1x16384xf32, #tpu.memory_space<hbm>> -> memref<16384xf32, #tpu.memory_space<hbm>>
      %dma_start3A_59 = tpu.memref_slice %arg5[%dma_start3A_56, %add3A_55] : memref<2x4194304xf32, #tpu.memory_space<hbm>> -> memref<1x16384xf32, #tpu.memory_space<hbm>>
      %dma_start3A_60 = tpu.memref_squeeze %dma_start3A_59 : memref<1x16384xf32, #tpu.memory_space<hbm>> -> memref<16384xf32, #tpu.memory_space<hbm>>
      tpu.enqueue_dma source(%arg10 : memref<16384xf32, #tpu.memory_space<vmem>>) target(%dma_start3A_60 : memref<16384xf32, #tpu.memory_space<hbm>>) target_semaphore(%arg16 : memref<!tpu.dma_semaphore, #tpu.memory_space<semaphore_mem>>)
      %dma_start3A_61 = arith.constant 1 : i32
      %dma_start3A_62 = tpu.memref_slice %arg5[%dma_start3A_61, %add3A_55] : memref<2x4194304xf32, #tpu.memory_space<hbm>> -> memref<1x16384xf32, #tpu.memory_space<hbm>>
      %dma_start3A_63 = tpu.memref_squeeze %dma_start3A_62 : memref<1x16384xf32, #tpu.memory_space<hbm>> -> memref<16384xf32, #tpu.memory_space<hbm>>
      %dma_start3A_64 = tpu.memref_slice %arg5[%dma_start3A_61, %add3A_55] : memref<2x4194304xf32, #tpu.memory_space<hbm>> -> memref<1x16384xf32, #tpu.memory_space<hbm>>
      %dma_start3A_65 = tpu.memref_squeeze %dma_start3A_64 : memref<1x16384xf32, #tpu.memory_space<hbm>> -> memref<16384xf32, #tpu.memory_space<hbm>>
      tpu.enqueue_dma source(%arg12 : memref<16384xf32, #tpu.memory_space<vmem>>) target(%dma_start3A_65 : memref<16384xf32, #tpu.memory_space<hbm>>) target_semaphore(%arg18 : memref<!tpu.dma_semaphore, #tpu.memory_space<semaphore_mem>>)
      %add3A_66 = arith.constant 1 : i32
      %add3A_67 = arith.addi %scan3A_41, %add3A_66 : i32
      %lt3A = arith.constant 4 : i32
      %lt3A_68 = arith.cmpi slt, %add3A_67, %lt3A : i32
      %convert_element_type3A_69 = arith.extui %lt3A_68 : i1 to i32
      %cond3A_70 = arith.constant 0 : i32
      %cond3A_71 = arith.cmpi ne, %convert_element_type3A_69, %cond3A_70 : i32
      scf.if %cond3A_71 {
        %add3A_106 = arith.constant 1 : i32
        %add3A_107 = arith.addi %scan3A_41, %add3A_106 : i32
        %mul3A_108 = arith.constant 2 : i32
        %mul3A_109 = arith.muli %add3A_107, %mul3A_108 : i32
        %add3A_110 = arith.constant 0 : i32
        %add3A_111 = arith.addi %mul3A_109, %add3A_110 : i32
        %mul3A_112 = arith.constant 16384 : i32
        %mul3A_113 = arith.muli %add3A_111, %mul3A_112 : i32
        %add3A_114 = arith.addi %mul3A_2, %mul3A_113 : i32
        %dma_start3A_115 = tpu.memref_slice %arg2[%add3A_114] : memref<4194304xi32, #tpu.memory_space<hbm>> -> memref<16384xi32, #tpu.memory_space<hbm>>
        %dma_start3A_116 = tpu.memref_slice %arg2[%add3A_114] : memref<4194304xi32, #tpu.memory_space<hbm>> -> memref<16384xi32, #tpu.memory_space<hbm>>
        tpu.enqueue_dma source(%dma_start3A_116 : memref<16384xi32, #tpu.memory_space<hbm>>) target(%arg8 : memref<16384xi32, #tpu.memory_space<vmem>>) target_semaphore(%arg14 : memref<!tpu.dma_semaphore, #tpu.memory_space<semaphore_mem>>)
      } else {
      }
      %dma_wait3A_72 = tpu.memref_slice %arg2[%mul3A_2] : memref<4194304xi32, #tpu.memory_space<hbm>> -> memref<16384xi32, #tpu.memory_space<hbm>>
      %dma_wait3A_73 = tpu.memref_slice %arg2[%mul3A_2] : memref<4194304xi32, #tpu.memory_space<hbm>> -> memref<16384xi32, #tpu.memory_space<hbm>>
      tpu.wait_dma2 semaphore(%arg15 : memref<!tpu.dma_semaphore, #tpu.memory_space<semaphore_mem>>) src(%dma_wait3A_73 : memref<16384xi32, #tpu.memory_space<hbm>>) dst(%arg9 : memref<16384xi32, #tpu.memory_space<vmem>>)
      %ge3A_74 = arith.constant 1 : i32
      %ge3A_75 = arith.cmpi sge, %scan3A_41, %ge3A_74 : i32
      %convert_element_type3A_76 = arith.extui %ge3A_75 : i1 to i32
      %cond3A_77 = arith.constant 0 : i32
      %cond3A_78 = arith.cmpi ne, %convert_element_type3A_76, %cond3A_77 : i32
      scf.if %cond3A_78 {
        %dma_wait3A_106 = arith.constant 0 : i32
        %dma_wait3A_107 = tpu.memref_slice %arg5[%dma_wait3A_106, %mul3A_2] : memref<2x4194304xf32, #tpu.memory_space<hbm>> -> memref<1x16384xf32, #tpu.memory_space<hbm>>
        %dma_wait3A_108 = tpu.memref_squeeze %dma_wait3A_107 : memref<1x16384xf32, #tpu.memory_space<hbm>> -> memref<16384xf32, #tpu.memory_space<hbm>>
        %dma_wait3A_109 = tpu.memref_slice %arg5[%dma_wait3A_106, %mul3A_2] : memref<2x4194304xf32, #tpu.memory_space<hbm>> -> memref<1x16384xf32, #tpu.memory_space<hbm>>
        %dma_wait3A_110 = tpu.memref_squeeze %dma_wait3A_109 : memref<1x16384xf32, #tpu.memory_space<hbm>> -> memref<16384xf32, #tpu.memory_space<hbm>>
        tpu.wait_dma2 semaphore(%arg17 : memref<!tpu.dma_semaphore, #tpu.memory_space<semaphore_mem>>) src(%arg11 : memref<16384xf32, #tpu.memory_space<vmem>>) dst(%dma_wait3A_110 : memref<16384xf32, #tpu.memory_space<hbm>>)
        %dma_wait3A_111 = arith.constant 1 : i32
        %dma_wait3A_112 = tpu.memref_slice %arg5[%dma_wait3A_111, %mul3A_2] : memref<2x4194304xf32, #tpu.memory_space<hbm>> -> memref<1x16384xf32, #tpu.memory_space<hbm>>
        %dma_wait3A_113 = tpu.memref_squeeze %dma_wait3A_112 : memref<1x16384xf32, #tpu.memory_space<hbm>> -> memref<16384xf32, #tpu.memory_space<hbm>>
        %dma_wait3A_114 = tpu.memref_slice %arg5[%dma_wait3A_111, %mul3A_2] : memref<2x4194304xf32, #tpu.memory_space<hbm>> -> memref<1x16384xf32, #tpu.memory_space<hbm>>
        %dma_wait3A_115 = tpu.memref_squeeze %dma_wait3A_114 : memref<1x16384xf32, #tpu.memory_space<hbm>> -> memref<16384xf32, #tpu.memory_space<hbm>>
        tpu.wait_dma2 semaphore(%arg19 : memref<!tpu.dma_semaphore, #tpu.memory_space<semaphore_mem>>) src(%arg13 : memref<16384xf32, #tpu.memory_space<vmem>>) dst(%dma_wait3A_115 : memref<16384xf32, #tpu.memory_space<hbm>>)
      } else {
      }
      %parallel_loop3A_79 = arith.constant 0 : i32
      %parallel_loop3A_80 = arith.constant 1024 : i32
      %parallel_loop3A_81 = arith.constant 4 : i32
      scf.for %parallel_loop3A_106 = %parallel_loop3A_79 to %parallel_loop3A_80 step %parallel_loop3A_81  : i32 {
        %parallel_loop3A_107 = arith.constant 0 : i32
        %parallel_loop3A_108 = arith.addi %parallel_loop3A_106, %parallel_loop3A_107 : i32
        %parallel_loop3A_109 = arith.constant 16 : i32
        %parallel_loop3A_110 = arith.muli %parallel_loop3A_108, %parallel_loop3A_109 : i32
        %parallel_loop3A_111 = arith.index_cast %parallel_loop3A_110 : i32 to index
        %parallel_loop3A_112 = tpu.vector_load %arg9[%parallel_loop3A_111] {strides = array<i32>} : memref<16384xi32, #tpu.memory_space<vmem>>, vector<16xi32>,
        %parallel_loop3A_113 = arith.constant 1 : i32
        %parallel_loop3A_114 = vector.broadcast %parallel_loop3A_113 : i32 to vector<16xi32>
        %parallel_loop3A_115 = arith.cmpi eq, %parallel_loop3A_112, %parallel_loop3A_114 : vector<16xi32>
        %parallel_loop3A_116 = arith.select %parallel_loop3A_115, %div3A, %broadcast_in_dim3A_16 : vector<16xi1>, vector<16xf32>
        %parallel_loop3A_117 = arith.index_cast %parallel_loop3A_110 : i32 to index
        %parallel_loop3A_118 = tpu.vector_load %arg11[%parallel_loop3A_117] {strides = array<i32>} : memref<16384xf32, #tpu.memory_space<vmem>>, vector<16xf32>,
        tpu.vector_store %arg11[%parallel_loop3A_117], %parallel_loop3A_116 {strides = array<i32>} : memref<16384xf32, #tpu.memory_space<vmem>>, vector<16xf32>,
        %parallel_loop3A_119 = arith.select %parallel_loop3A_115, %div3A_15, %broadcast_in_dim3A_16 : vector<16xi1>, vector<16xf32>
        %parallel_loop3A_120 = arith.index_cast %parallel_loop3A_110 : i32 to index
        %parallel_loop3A_121 = tpu.vector_load %arg13[%parallel_loop3A_120] {strides = array<i32>} : memref<16384xf32, #tpu.memory_space<vmem>>, vector<16xf32>,
        tpu.vector_store %arg13[%parallel_loop3A_120], %parallel_loop3A_119 {strides = array<i32>} : memref<16384xf32, #tpu.memory_space<vmem>>, vector<16xf32>,
        %parallel_loop3A_122 = arith.constant 1 : i32
        %parallel_loop3A_123 = arith.addi %parallel_loop3A_106, %parallel_loop3A_122 : i32
        %parallel_loop3A_124 = arith.constant 16 : i32
        %parallel_loop3A_125 = arith.muli %parallel_loop3A_123, %parallel_loop3A_124 : i32
        %parallel_loop3A_126 = arith.index_cast %parallel_loop3A_125 : i32 to index
        %parallel_loop3A_127 = tpu.vector_load %arg9[%parallel_loop3A_126] {strides = array<i32>} : memref<16384xi32, #tpu.memory_space<vmem>>, vector<16xi32>,
        %parallel_loop3A_128 = arith.constant 1 : i32
        %parallel_loop3A_129 = vector.broadcast %parallel_loop3A_128 : i32 to vector<16xi32>
        %parallel_loop3A_130 = arith.cmpi eq, %parallel_loop3A_127, %parallel_loop3A_129 : vector<16xi32>
        %parallel_loop3A_131 = arith.select %parallel_loop3A_130, %div3A, %broadcast_in_dim3A_16 : vector<16xi1>, vector<16xf32>
        %parallel_loop3A_132 = arith.index_cast %parallel_loop3A_125 : i32 to index
        %parallel_loop3A_133 = tpu.vector_load %arg11[%parallel_loop3A_132] {strides = array<i32>} : memref<16384xf32, #tpu.memory_space<vmem>>, vector<16xf32>,
        tpu.vector_store %arg11[%parallel_loop3A_132], %parallel_loop3A_131 {strides = array<i32>} : memref<16384xf32, #tpu.memory_space<vmem>>, vector<16xf32>,
        %parallel_loop3A_134 = arith.select %parallel_loop3A_130, %div3A_15, %broadcast_in_dim3A_16 : vector<16xi1>, vector<16xf32>
        %parallel_loop3A_135 = arith.index_cast %parallel_loop3A_125 : i32 to index
        %parallel_loop3A_136 = tpu.vector_load %arg13[%parallel_loop3A_135] {strides = array<i32>} : memref<16384xf32, #tpu.memory_space<vmem>>, vector<16xf32>,
        tpu.vector_store %arg13[%parallel_loop3A_135], %parallel_loop3A_134 {strides = array<i32>} : memref<16384xf32, #tpu.memory_space<vmem>>, vector<16xf32>,
        %parallel_loop3A_137 = arith.constant 2 : i32
        %parallel_loop3A_138 = arith.addi %parallel_loop3A_106, %parallel_loop3A_137 : i32
        %parallel_loop3A_139 = arith.constant 16 : i32
        %parallel_loop3A_140 = arith.muli %parallel_loop3A_138, %parallel_loop3A_139 : i32
        %parallel_loop3A_141 = arith.index_cast %parallel_loop3A_140 : i32 to index
        %parallel_loop3A_142 = tpu.vector_load %arg9[%parallel_loop3A_141] {strides = array<i32>} : memref<16384xi32, #tpu.memory_space<vmem>>, vector<16xi32>,
        %parallel_loop3A_143 = arith.constant 1 : i32
        %parallel_loop3A_144 = vector.broadcast %parallel_loop3A_143 : i32 to vector<16xi32>
        %parallel_loop3A_145 = arith.cmpi eq, %parallel_loop3A_142, %parallel_loop3A_144 : vector<16xi32>
        %parallel_loop3A_146 = arith.select %parallel_loop3A_145, %div3A, %broadcast_in_dim3A_16 : vector<16xi1>, vector<16xf32>
        %parallel_loop3A_147 = arith.index_cast %parallel_loop3A_140 : i32 to index
        %parallel_loop3A_148 = tpu.vector_load %arg11[%parallel_loop3A_147] {strides = array<i32>} : memref<16384xf32, #tpu.memory_space<vmem>>, vector<16xf32>,
        tpu.vector_store %arg11[%parallel_loop3A_147], %parallel_loop3A_146 {strides = array<i32>} : memref<16384xf32, #tpu.memory_space<vmem>>, vector<16xf32>,
        %parallel_loop3A_149 = arith.select %parallel_loop3A_145, %div3A_15, %broadcast_in_dim3A_16 : vector<16xi1>, vector<16xf32>
        %parallel_loop3A_150 = arith.index_cast %parallel_loop3A_140 : i32 to index
        %parallel_loop3A_151 = tpu.vector_load %arg13[%parallel_loop3A_150] {strides = array<i32>} : memref<16384xf32, #tpu.memory_space<vmem>>, vector<16xf32>,
        tpu.vector_store %arg13[%parallel_loop3A_150], %parallel_loop3A_149 {strides = array<i32>} : memref<16384xf32, #tpu.memory_space<vmem>>, vector<16xf32>,
        %parallel_loop3A_152 = arith.constant 3 : i32
        %parallel_loop3A_153 = arith.addi %parallel_loop3A_106, %parallel_loop3A_152 : i32
        %parallel_loop3A_154 = arith.constant 16 : i32
        %parallel_loop3A_155 = arith.muli %parallel_loop3A_153, %parallel_loop3A_154 : i32
        %parallel_loop3A_156 = arith.index_cast %parallel_loop3A_155 : i32 to index
        %parallel_loop3A_157 = tpu.vector_load %arg9[%parallel_loop3A_156] {strides = array<i32>} : memref<16384xi32, #tpu.memory_space<vmem>>, vector<16xi32>,
        %parallel_loop3A_158 = arith.constant 1 : i32
        %parallel_loop3A_159 = vector.broadcast %parallel_loop3A_158 : i32 to vector<16xi32>
        %parallel_loop3A_160 = arith.cmpi eq, %parallel_loop3A_157, %parallel_loop3A_159 : vector<16xi32>
        %parallel_loop3A_161 = arith.select %parallel_loop3A_160, %div3A, %broadcast_in_dim3A_16 : vector<16xi1>, vector<16xf32>
        %parallel_loop3A_162 = arith.index_cast %parallel_loop3A_155 : i32 to index
        %parallel_loop3A_163 = tpu.vector_load %arg11[%parallel_loop3A_162] {strides = array<i32>} : memref<16384xf32, #tpu.memory_space<vmem>>, vector<16xf32>,
        tpu.vector_store %arg11[%parallel_loop3A_162], %parallel_loop3A_161 {strides = array<i32>} : memref<16384xf32, #tpu.memory_space<vmem>>, vector<16xf32>,
        %parallel_loop3A_164 = arith.select %parallel_loop3A_160, %div3A_15, %broadcast_in_dim3A_16 : vector<16xi1>, vector<16xf32>
        %parallel_loop3A_165 = arith.index_cast %parallel_loop3A_155 : i32 to index
        %parallel_loop3A_166 = tpu.vector_load %arg13[%parallel_loop3A_165] {strides = array<i32>} : memref<16384xf32, #tpu.memory_space<vmem>>, vector<16xf32>,
        tpu.vector_store %arg13[%parallel_loop3A_165], %parallel_loop3A_164 {strides = array<i32>} : memref<16384xf32, #tpu.memory_space<vmem>>, vector<16xf32>,
      } {sc.loop_unroll_factor = 4 : i64, sc.parallel_access}
      %mul3A_82 = arith.constant 2 : i32
      %mul3A_83 = arith.muli %mul3A_82, %scan3A_41 : i32
      %add3A_84 = arith.constant 1 : i32
      %add3A_85 = arith.addi %mul3A_83, %add3A_84 : i32
      %mul3A_86 = arith.constant 16384 : i32
      %mul3A_87 = arith.muli %add3A_85, %mul3A_86 : i32
      %add3A_88 = arith.addi %mul3A_2, %mul3A_87 : i32
      %dma_start3A_89 = arith.constant 0 : i32
      %dma_start3A_90 = tpu.memref_slice %arg5[%dma_start3A_89, %add3A_88] : memref<2x4194304xf32, #tpu.memory_space<hbm>> -> memref<1x16384xf32, #tpu.memory_space<hbm>>
      %dma_start3A_91 = tpu.memref_squeeze %dma_start3A_90 : memref<1x16384xf32, #tpu.memory_space<hbm>> -> memref<16384xf32, #tpu.memory_space<hbm>>
      %dma_start3A_92 = tpu.memref_slice %arg5[%dma_start3A_89, %add3A_88] : memref<2x4194304xf32, #tpu.memory_space<hbm>> -> memref<1x16384xf32, #tpu.memory_space<hbm>>
      %dma_start3A_93 = tpu.memref_squeeze %dma_start3A_92 : memref<1x16384xf32, #tpu.memory_space<hbm>> -> memref<16384xf32, #tpu.memory_space<hbm>>
      tpu.enqueue_dma source(%arg11 : memref<16384xf32, #tpu.memory_space<vmem>>) target(%dma_start3A_93 : memref<16384xf32, #tpu.memory_space<hbm>>) target_semaphore(%arg17 : memref<!tpu.dma_semaphore, #tpu.memory_space<semaphore_mem>>)
      %dma_start3A_94 = arith.constant 1 : i32
      %dma_start3A_95 = tpu.memref_slice %arg5[%dma_start3A_94, %add3A_88] : memref<2x4194304xf32, #tpu.memory_space<hbm>> -> memref<1x16384xf32, #tpu.memory_space<hbm>>
      %dma_start3A_96 = tpu.memref_squeeze %dma_start3A_95 : memref<1x16384xf32, #tpu.memory_space<hbm>> -> memref<16384xf32, #tpu.memory_space<hbm>>
      %dma_start3A_97 = tpu.memref_slice %arg5[%dma_start3A_94, %add3A_88] : memref<2x4194304xf32, #tpu.memory_space<hbm>> -> memref<1x16384xf32, #tpu.memory_space<hbm>>
      %dma_start3A_98 = tpu.memref_squeeze %dma_start3A_97 : memref<1x16384xf32, #tpu.memory_space<hbm>> -> memref<16384xf32, #tpu.memory_space<hbm>>
      tpu.enqueue_dma source(%arg13 : memref<16384xf32, #tpu.memory_space<vmem>>) target(%dma_start3A_98 : memref<16384xf32, #tpu.memory_space<hbm>>) target_semaphore(%arg19 : memref<!tpu.dma_semaphore, #tpu.memory_space<semaphore_mem>>)
      %add3A_99 = arith.constant 1 : i32
      %add3A_100 = arith.addi %scan3A_41, %add3A_99 : i32
      %lt3A_101 = arith.constant 4 : i32
      %lt3A_102 = arith.cmpi slt, %add3A_100, %lt3A_101 : i32
      %convert_element_type3A_103 = arith.extui %lt3A_102 : i1 to i32
      %cond3A_104 = arith.constant 0 : i32
      %cond3A_105 = arith.cmpi ne, %convert_element_type3A_103, %cond3A_104 : i32
      scf.if %cond3A_105 {
        %add3A_106 = arith.constant 1 : i32
        %add3A_107 = arith.addi %scan3A_41, %add3A_106 : i32
        %mul3A_108 = arith.constant 2 : i32
        %mul3A_109 = arith.muli %add3A_107, %mul3A_108 : i32
        %add3A_110 = arith.constant 1 : i32
        %add3A_111 = arith.addi %mul3A_109, %add3A_110 : i32
        %mul3A_112 = arith.constant 16384 : i32
        %mul3A_113 = arith.muli %add3A_111, %mul3A_112 : i32
        %add3A_114 = arith.addi %mul3A_2, %mul3A_113 : i32
        %dma_start3A_115 = tpu.memref_slice %arg2[%add3A_114] : memref<4194304xi32, #tpu.memory_space<hbm>> -> memref<16384xi32, #tpu.memory_space<hbm>>
        %dma_start3A_116 = tpu.memref_slice %arg2[%add3A_114] : memref<4194304xi32, #tpu.memory_space<hbm>> -> memref<16384xi32, #tpu.memory_space<hbm>>
        tpu.enqueue_dma source(%dma_start3A_116 : memref<16384xi32, #tpu.memory_space<hbm>>) target(%arg9 : memref<16384xi32, #tpu.memory_space<vmem>>) target_semaphore(%arg15 : memref<!tpu.dma_semaphore, #tpu.memory_space<semaphore_mem>>)
      } else {
      }
    }
    %scan3A_21 = arith.constant 4 : i32
    %dma_wait3A = arith.constant 0 : i32
    %dma_wait3A_22 = tpu.memref_slice %arg5[%dma_wait3A, %mul3A_2] : memref<2x4194304xf32, #tpu.memory_space<hbm>> -> memref<1x16384xf32, #tpu.memory_space<hbm>>
    %dma_wait3A_23 = tpu.memref_squeeze %dma_wait3A_22 : memref<1x16384xf32, #tpu.memory_space<hbm>> -> memref<16384xf32, #tpu.memory_space<hbm>>
    %dma_wait3A_24 = tpu.memref_slice %arg5[%dma_wait3A, %mul3A_2] : memref<2x4194304xf32, #tpu.memory_space<hbm>> -> memref<1x16384xf32, #tpu.memory_space<hbm>>
    %dma_wait3A_25 = tpu.memref_squeeze %dma_wait3A_24 : memref<1x16384xf32, #tpu.memory_space<hbm>> -> memref<16384xf32, #tpu.memory_space<hbm>>
    tpu.wait_dma2 semaphore(%arg16 : memref<!tpu.dma_semaphore, #tpu.memory_space<semaphore_mem>>) src(%arg10 : memref<16384xf32, #tpu.memory_space<vmem>>) dst(%dma_wait3A_25 : memref<16384xf32, #tpu.memory_space<hbm>>)
    %dma_wait3A_26 = arith.constant 1 : i32
    %dma_wait3A_27 = tpu.memref_slice %arg5[%dma_wait3A_26, %mul3A_2] : memref<2x4194304xf32, #tpu.memory_space<hbm>> -> memref<1x16384xf32, #tpu.memory_space<hbm>>
    %dma_wait3A_28 = tpu.memref_squeeze %dma_wait3A_27 : memref<1x16384xf32, #tpu.memory_space<hbm>> -> memref<16384xf32, #tpu.memory_space<hbm>>
    %dma_wait3A_29 = tpu.memref_slice %arg5[%dma_wait3A_26, %mul3A_2] : memref<2x4194304xf32, #tpu.memory_space<hbm>> -> memref<1x16384xf32, #tpu.memory_space<hbm>>
    %dma_wait3A_30 = tpu.memref_squeeze %dma_wait3A_29 : memref<1x16384xf32, #tpu.memory_space<hbm>> -> memref<16384xf32, #tpu.memory_space<hbm>>
    tpu.wait_dma2 semaphore(%arg18 : memref<!tpu.dma_semaphore, #tpu.memory_space<semaphore_mem>>) src(%arg12 : memref<16384xf32, #tpu.memory_space<vmem>>) dst(%dma_wait3A_30 : memref<16384xf32, #tpu.memory_space<hbm>>)
    %dma_wait3A_31 = arith.constant 0 : i32
    %dma_wait3A_32 = tpu.memref_slice %arg5[%dma_wait3A_31, %mul3A_2] : memref<2x4194304xf32, #tpu.memory_space<hbm>> -> memref<1x16384xf32, #tpu.memory_space<hbm>>
    %dma_wait3A_33 = tpu.memref_squeeze %dma_wait3A_32 : memref<1x16384xf32, #tpu.memory_space<hbm>> -> memref<16384xf32, #tpu.memory_space<hbm>>
    %dma_wait3A_34 = tpu.memref_slice %arg5[%dma_wait3A_31, %mul3A_2] : memref<2x4194304xf32, #tpu.memory_space<hbm>> -> memref<1x16384xf32, #tpu.memory_space<hbm>>
    %dma_wait3A_35 = tpu.memref_squeeze %dma_wait3A_34 : memref<1x16384xf32, #tpu.memory_space<hbm>> -> memref<16384xf32, #tpu.memory_space<hbm>>
    tpu.wait_dma2 semaphore(%arg17 : memref<!tpu.dma_semaphore, #tpu.memory_space<semaphore_mem>>) src(%arg11 : memref<16384xf32, #tpu.memory_space<vmem>>) dst(%dma_wait3A_35 : memref<16384xf32, #tpu.memory_space<hbm>>)
    %dma_wait3A_36 = arith.constant 1 : i32
    %dma_wait3A_37 = tpu.memref_slice %arg5[%dma_wait3A_36, %mul3A_2] : memref<2x4194304xf32, #tpu.memory_space<hbm>> -> memref<1x16384xf32, #tpu.memory_space<hbm>>
    %dma_wait3A_38 = tpu.memref_squeeze %dma_wait3A_37 : memref<1x16384xf32, #tpu.memory_space<hbm>> -> memref<16384xf32, #tpu.memory_space<hbm>>
    %dma_wait3A_39 = tpu.memref_slice %arg5[%dma_wait3A_36, %mul3A_2] : memref<2x4194304xf32, #tpu.memory_space<hbm>> -> memref<1x16384xf32, #tpu.memory_space<hbm>>
    %dma_wait3A_40 = tpu.memref_squeeze %dma_wait3A_39 : memref<1x16384xf32, #tpu.memory_space<hbm>> -> memref<16384xf32, #tpu.memory_space<hbm>>
    tpu.wait_dma2 semaphore(%arg19 : memref<!tpu.dma_semaphore, #tpu.memory_space<semaphore_mem>>) src(%arg13 : memref<16384xf32, #tpu.memory_space<vmem>>) dst(%dma_wait3A_40 : memref<16384xf32, #tpu.memory_space<hbm>>)
    return
  }
}

module attributes {stable_mosaic.version = 14 : i64} {
  func.func @_count_tc_body(%arg0: i32, %arg1: memref<4096x128xi32, #tpu.memory_space<vmem>>, %arg2: memref<16xi32, #tpu.memory_space<vmem>>, %arg3: memref<4096x128xi32, #tpu.memory_space<vmem>>) attributes {dimension_semantics = [#tpu.dimension_semantics<arbitrary>], iteration_bounds = array<i64: 8>, scalar_prefetch = 0 : i64, scratch_operands = 1 : i64, tpu.core_type = #tpu.core_type<tc>, window_params = [{transform_indices = @transform_0, window_bounds = array<i64: 4096, 128>}, {pipeline_mode = #tpu.pipeline_mode<synchronous>, transform_indices = @transform_1, window_bounds = array<i64: 16>}]} {
    %eq3A = arith.constant 0 : i32
    %eq3A_0 = arith.cmpi eq, %arg0, %eq3A : i32
    %convert_element_type3A = arith.extui %eq3A_0 : i1 to i32
    %cond3A = arith.constant 0 : i32
    %cond3A_1 = arith.cmpi ne, %convert_element_type3A, %cond3A : i32
    scf.if %cond3A_1 {
      %broadcast_in_dim3A = arith.constant 0 : i32
      %broadcast_in_dim3A_18 = vector.broadcast %broadcast_in_dim3A : i32 to vector<4096x128xi32>
      %swap3A_19 = arith.constant 0 : index
      %swap3A_20 = arith.constant 0 : index
      %swap3A_21 = vector.load %arg3[%swap3A_19, %swap3A_20] : memref<4096x128xi32, #tpu.memory_space<vmem>>, vector<4096x128xi32>
      tpu.vector_store %arg3[%swap3A_19, %swap3A_20], %broadcast_in_dim3A_18 {strides = array<i32>} : memref<4096x128xi32, #tpu.memory_space<vmem>>, vector<4096x128xi32>,
    } else {
    }
    %get3A = arith.constant 0 : index
    %get3A_2 = arith.constant 0 : index
    %get3A_3 = vector.load %arg3[%get3A, %get3A_2] : memref<4096x128xi32, #tpu.memory_space<vmem>>, vector<4096x128xi32>
    %get3A_4 = arith.constant 0 : index
    %get3A_5 = arith.constant 0 : index
    %get3A_6 = vector.load %arg1[%get3A_4, %get3A_5] : memref<4096x128xi32, #tpu.memory_space<vmem>>, vector<4096x128xi32>
    %eq3A_7 = arith.constant 1 : i32
    %eq3A_8 = vector.broadcast %eq3A_7 : i32 to vector<4096x128xi32>
    %eq3A_9 = arith.cmpi eq, %get3A_6, %eq3A_8 : vector<4096x128xi32>
    %convert_element_type3A_10 = arith.extui %eq3A_9 : vector<4096x128xi1> to vector<4096x128xi32>
    %add3A = arith.addi %get3A_3, %convert_element_type3A_10 : vector<4096x128xi32>
    %swap3A = arith.constant 0 : index
    %swap3A_11 = arith.constant 0 : index
    %swap3A_12 = vector.load %arg3[%swap3A, %swap3A_11] : memref<4096x128xi32, #tpu.memory_space<vmem>>, vector<4096x128xi32>
    tpu.vector_store %arg3[%swap3A, %swap3A_11], %add3A {strides = array<i32>} : memref<4096x128xi32, #tpu.memory_space<vmem>>, vector<4096x128xi32>,
    %eq3A_13 = arith.constant 7 : i32
    %eq3A_14 = arith.cmpi eq, %arg0, %eq3A_13 : i32
    %convert_element_type3A_15 = arith.extui %eq3A_14 : i1 to i32
    %cond3A_16 = arith.constant 0 : i32
    %cond3A_17 = arith.cmpi ne, %convert_element_type3A_15, %cond3A_16 : i32
    scf.if %cond3A_17 {
      %get3A_18 = arith.constant 0 : index
      %get3A_19 = arith.constant 0 : index
      %get3A_20 = vector.load %arg3[%get3A_18, %get3A_19] : memref<4096x128xi32, #tpu.memory_space<vmem>>, vector<4096x128xi32>
      %reduce_sum3A = vector.shape_cast %get3A_20 : vector<4096x128xi32> to vector<1x4096x128xi32>
      %reduce_sum3A_21 = arith.constant dense<0> : vector<1xi32>
      %reduce_sum3A_22 = vector.multi_reduction <add>, %reduce_sum3A, %reduce_sum3A_21 [1, 2] : vector<1x4096x128xi32> to vector<1xi32>
      %reduce_sum3A_23 = vector.shape_cast %reduce_sum3A_22 : vector<1xi32> to vector<1x1x1xi32>
      %reduce_sum3A_24 = vector.extract %reduce_sum3A_23[0, 0, 0] : i32 from vector<1x1x1xi32>
      %broadcast_in_dim3A = vector.broadcast %reduce_sum3A_24 : i32 to vector<16xi32>
      %swap3A_25 = arith.constant 0 : index
      %swap3A_26 = vector.load %arg2[%swap3A_25] : memref<16xi32, #tpu.memory_space<vmem>>, vector<16xi32>
      tpu.vector_store %arg2[%swap3A_25], %broadcast_in_dim3A {strides = array<i32>} : memref<16xi32, #tpu.memory_space<vmem>>, vector<16xi32>,
    } else {
    }
    return
  }
  func.func @transform_0(%arg0: i32) -> (i32, i32) {
    %c0_i32 = arith.constant 0 : i32
    %c0_i32_0 = arith.constant 0 : i32
    return %arg0, %c0_i32 : i32, i32
  }
  func.func @transform_1(%arg0: i32) -> i32 {
    %c0_i32 = arith.constant 0 : i32
    %c0_i32_0 = arith.constant 0 : i32
    return %c0_i32 : i32
  }
}

</mosaic_0001>

<sc_bundles>
// kernel: kernel.4.cloned.1.call-start
scs
__scs_entry_jumppad:
0x0: {  	(pc) =	sbr.rel $0x88, $3  }
0x1: {  	(tag) =	ssettag $0x0;
	lr =	simm.s32 $0x1  }
0x2: {  	[smem:$0x3F9F] =	sst lr;
	_ =	strace $0xD0000000  }
0x3: {  	_ = 	snop  }
0x4: {  	_ = 	snop  }
0x5: {  	_ = 	snop  }
0x6: {  	_ = 	snop  }
0x7: {  	_ = 	snop  }
__scs_overlays_trampoline_lowered:
0x8: {  	[smem:$0x3FAE] =	sst s0  }
0x9: {  	[smem:$0x3FAF] =	sst s1  }
0xa: {  	[smem:$0x3FB0] =	sst s2  }
0xb: {  	[smem:$0x3FB1] =	sst s3  }
0xc: {  	[smem:$0x3FB2] =	sst s4  }
0xd: {  	[smem:$0x3FB3] =	sst s5  }
0xe: {  	[smem:$0x3FB4] =	sst s6  }
0xf: {  	[smem:$0x3FB5] =	sst s7  }
0x10: {  	[smem:$0x3FB6] =	sst s8  }
0x11: {  	[smem:$0x3FB7] =	sst s9;
	s0 =	simm.s32 @!p0 $0x0  }
0x12: {  	s1 =	sld [smem:$0x3F9D];
	s0 =	simm.s32 @p0 $0x1  }
0x13: {  	[smem:$0x3FB8] =	sst s0;
	s0 =	simm.s32 @!p1 $0x0  }
0x14: {  	s2 =	sld [smem:$0x3F9C];
	s0 =	simm.s32 @p1 $0x1  }
0x15: {  	[smem:$0x3FB9] =	sst s0;
	s0 =	simm.s32 @!p2 $0x0  }
0x16: {  	s3 =	sld [smem:$0x3FDB];
	s0 =	simm.s32 @p2 $0x1  }
0x17: {  	s4 =	simm.s32 $0x1BF5;
	[smem:$0x3FBB] =	sst s0  }
0x18: {  	s0 =	sld [smem:$0x3F9E];
	_ =	swait.ge [sflag:s4], $0x0  }
0x19: {  	s7 =	sld [smem:$0x3F9F]  }
0x1a: {  	s8 =	sadd.s32 $0xFFFFE003, lr  }
0x1b: {  	s9 =	sadd.s32 $0xFFFFFEF7, lr;
	s5 =	simm.s32 $0xFFFFFFFF;
	p2 =	slt.u32 s8, $0xFFFFF086  }
0x1c: {  	p1 =	slt.u32 s9, $0xF7A;
	s5 =	simm.s32 @!p2 $0x0  }
0x1d: {  	s5 =	simm.s32 @p1 $0x1;
	p0 =	seq.s32 s7, s2  }
0x1e: {  	s7 =	smul.u32 @!p0 $0xF7A, s2;
	p2 =	seq.s32 @!p0 s5, $0x0  }
0x1f: {  	s9 =	smul.u32 $0xF7A, s1;
	s8 =	simm.s32 @!p0 $0x1BF5;
	p2 =	por !p2, p0  }
0x20: {  	[sflag:s8] =	ssyncset.s32 @!p0 $0xFFFFF086;
	s6 =	sadd.s32 @!p0 s3, s7;
	s7 =	simm.s32 @!p0 $0x108  }
0x21: {  	s3 =	sadd.s32 s3, s9;
	s6 =	sadd.s32 @!p0 $0x88, s6;
	s7 =	simm.s32 @p2 $0x1082  }
0x22: {  	[simem:s7], [sflag:s8] =	dma.local @!p0 [hbm:s6], $0xF7A  }
0x23: {  	s9 =	sor.u32 $0xD0000000, s2;
	s6 =	simm.s32 $0x108;
	_ =	swait.ge @!p0 [sflag:s8], $0x0  }
0x24: {  	s3 =	sadd.s32 $0x88, s3;
	s6 =	simm.s32 @!p1 $0x1082;
	[sflag:s4] =	ssyncset.s32 $0xFFFFF086  }
0x25: {  	[simem:s6], [sflag:s4] =	dma.local [hbm:s3], $0xF7A  }
0x26: {  	[smem:$0x3F9F] =	sst s1;
	(tag) =	ssettag s2;
	_ =	strace s9  }
0x27: {  	s1 =	sld [smem:$0x3FAF]  }
0x28: {  	s2 =	sld [smem:$0x3FB0]  }
0x29: {  	s4 =	sld [smem:$0x3FB2]  }
0x2a: {  	p0 =	seq.s32 s5, $0x0;
	s5 =	sld [smem:$0x3FB3]  }
0x2b: {  	s6 =	sld [smem:$0x3FB4]  }
0x2c: {  	s7 =	sld [smem:$0x3FB5]  }
0x2d: {  	s3 =	simm.s32 $0x108;
	s8 =	sld [smem:$0x3FB6]  }
0x2e: {  	s3 =	simm.s32 @!p0 $0x1082;
	s9 =	sld [smem:$0x3FB7]  }
0x2f: {  	lr =	sadd.s32 s0, s3;
	s0 =	sld [smem:$0x3FAE]  }
0x30: {  	s3 =	sld [smem:$0x3FB1]  }
0x31: {  	[smem:$0x3FBA] =	sst s10  }
0x32: {  	s10 =	sld [smem:$0x3FB8];
	_ =	sdelay $0x3  }
0x33: {  	p0 =	seq.s32 s10, $0x1;
	s10 =	sld [smem:$0x3FBA];
	_ =	sdelay $0x3  }
0x34: {  	[smem:$0x3FBA] =	sst s10  }
0x35: {  	s10 =	sld [smem:$0x3FB9];
	_ =	sdelay $0x3  }
0x36: {  	p1 =	seq.s32 s10, $0x1;
	s10 =	sld [smem:$0x3FBA];
	_ =	sdelay $0x3  }
0x37: {  	[smem:$0x3FBA] =	sst s10  }
0x38: {  	s10 =	sld [smem:$0x3FBB]  }
0x39: {  	_ = 	snop;
	(pc) =	sbr.ind lr, $3  }
0x3a: {  	_ = 	snop  }
0x3b: {  	_ = 	snop  }
0x3c: {  	p2 =	seq.s32 s10, $0x1;
	s10 =	sld [smem:$0x3FBA]  }
0x3d: {  	_ =	shalt  }
0x3e: {  	_ =	shalt  }
0x3f: {  	_ =	shalt  }
0x40: {  	_ =	shalt  }
0x41: {  	_ =	shalt  }
0x42: {  	_ =	shalt  }
0x43: {  	_ =	shalt  }
0x44: {  	_ =	shalt  }
0x45: {  	_ =	shalt  }
0x46: {  	_ =	shalt  }
0x47: {  	_ =	shalt  }
0x48: {  	_ =	shalt  }
0x49: {  	_ =	shalt  }
0x4a: {  	_ =	shalt  }
0x4b: {  	_ =	shalt  }
0x4c: {  	_ =	shalt  }
0x4d: {  	_ =	shalt  }
0x4e: {  	_ =	shalt  }
0x4f: {  	_ =	shalt  }
0x50: {  	_ =	shalt  }
0x51: {  	_ =	shalt  }
0x52: {  	_ =	shalt  }
0x53: {  	_ =	shalt  }
0x54: {  	_ =	shalt  }
0x55: {  	_ =	shalt  }
0x56: {  	_ =	shalt  }
0x57: {  	_ =	shalt  }
0x58: {  	_ =	shalt  }
0x59: {  	_ =	shalt  }
0x5a: {  	_ =	shalt  }
0x5b: {  	_ =	shalt  }
0x5c: {  	_ =	shalt  }
0x5d: {  	_ =	shalt  }
0x5e: {  	_ =	shalt  }
0x5f: {  	_ =	shalt  }
0x60: {  	_ =	shalt  }
0x61: {  	_ =	shalt  }
0x62: {  	_ =	shalt  }
0x63: {  	_ =	shalt  }
0x64: {  	_ =	shalt  }
0x65: {  	_ =	shalt  }
0x66: {  	_ =	shalt  }
0x67: {  	_ =	shalt  }
0x68: {  	_ =	shalt  }
0x69: {  	_ =	shalt  }
0x6a: {  	_ =	shalt  }
0x6b: {  	_ =	shalt  }
0x6c: {  	_ =	shalt  }
0x6d: {  	_ =	shalt  }
0x6e: {  	_ =	shalt  }
0x6f: {  	_ =	shalt  }
0x70: {  	_ =	shalt  }
0x71: {  	_ =	shalt  }
0x72: {  	_ =	shalt  }
0x73: {  	_ =	shalt  }
0x74: {  	_ =	shalt  }
0x75: {  	_ =	shalt  }
0x76: {  	_ =	shalt  }
0x77: {  	_ =	shalt  }
0x78: {  	_ =	shalt  }
0x79: {  	_ =	shalt  }
0x7a: {  	_ =	shalt  }
0x7b: {  	_ =	shalt  }
0x7c: {  	_ =	shalt  }
0x7d: {  	_ =	shalt  }
0x7e: {  	_ =	shalt  }
0x7f: {  	_ =	shalt  }
0x80: {  	_ =	shalt  }
0x81: {  	_ =	shalt  }
0x82: {  	_ =	shalt  }
0x83: {  	_ =	shalt  }
0x84: {  	_ =	shalt  }
0x85: {  	_ =	shalt  }
0x86: {  	_ =	shalt  }
0x87: {  	_ =	shalt  }
.Lfunc_end0:
.L_simem_size_0:
called_computation_lowered:
.L_overlay_start_0:
0x88: {  	s2 =	sld [smem:$0x3FD9]  }
0x89: {  	s3 =	sld [smem:$0x3FFE];
	_ =	sdelay $0x1  }
0x8a: {  	s1 =	srdreg.scid  }
0x8b: {  	s0 =	sand.u32 $0x1, s1  }
0x8c: {  	s17 =	sshll.u32 s0, $0xA;
	s2 =	sadd.s32 s3, s2  }
0x8d: {  	s2 =	sadd.s32 s2, s17  }
0x8e: {  	[smem:$0x3FC6] =	sst s2  }
0x8f: {  	_ = 	snop  }
0x90: {  	s2 =	sld [smem:$0x3FC9]  }
0x91: {  	s18 =	sld [smem:$0x3FD0];
	(tm) =	ssettm $0x1  }
0x92: {  	s4 =	sld [smem:$0x3FFB];
	_ =	sdelay $0x3  }
0x93: {  	_ =	strace s4  }
0x94: {  	s4 =	sld [smem:$0x3FFC];
	_ =	sdelay $0x3  }
0x95: {  	_ =	strace s4  }
0x96: {  	s4 =	sld [smem:$0x3FFD];
	_ =	sdelay $0x3  }
0x97: {  	_ =	strace s4  }
0x98: {  	_ =	strace $0x8FFFFFFF  }
0x99: {  	s19 =	sld [smem:$0x3FDB];
	_ =	sdelay $0x1  }
0x9a: {  	s5 =	simm.s32 $_scs_section_size  }
0x9b: {  	s6 =	simm.s32 $_size__tile_overlayer_lowered;
	s7 =	simm.s32 $_tile_overlayer_lowered  }
0x9c: {  	s22 =	simm.s32 $0x1BFF;
	s21 =	sshll.u32 s7, $0x1;
	s4 =	sadd.s32 s5, s19  }
0x9d: {  	s8 =	simm.s32 $0x0;
	s20 =	sshll.u32 s6, $0x1;
	s6 =	sadd.s32 s21, s4  }
0x9e: {  	[timem:s8], [sflag:s22] =	dma.local [hbm:s6], s20  }
0x9f: {  	_ =	swait.ge [sflag:s22], s20  }
0xa0: {  	s5 =	ssub.s32 $0x0, s20;
	[sflag:s22] =	ssyncset.done $0x0  }
0xa1: {  	[sflag:s22] =	ssyncadd.s32 s5;
	_ =	sdelay $0x1  }
0xa2: {  	s23 =	simm.s32 $0x1B8B  }
0xa3: {  	_ =	swait.ge [sflag:s23], $0x1  }
0xa4: {  	[sflag:s23] =	ssyncset.done $0x0  }
0xa5: {  	s25 =	simm.s32 $0x1B8E;
	s24 =	sld [smem:$0x3FFE];
	[sflag:s23] =	ssyncadd.s32 $0xFFFFFFFF  }
0xa6: {  	s26 =	simm.s32 $execute0_lowered;
	[smem:$0x3FD2] =	sst s25  }
0xa7: {  	s6 =	sshll.u32 s26, $0x1;
	_ =	strace $0x80000046;
	[dreg:$0x1] =	wrdreg $0xFFFFFFFF  }
0xa8: {  	s28 =	simm.s32 $_size_execute0_lowered;
	s4 =	sadd.s32 s4, s6;
	[dreg:$0x0] =	wrdreg $0x0  }
0xa9: {  	s6 =	sshll.u32 s28, $0x1;
	[dreg:$0x2] =	wrdreg s4  }
0xaa: {  	[dreg:$0x3] =	wrdreg s6  }
0xab: {  	[dreg:$0x4] =	wrdreg $0xC0  }
0xac: {  	_ =	task [dreg:s8], $0x5FFFF  }
0xad: {  	[dreg:$0x1] =	wrdreg $0xFFFFFFFF  }
0xae: {  	[dreg:$0x0] =	wrdreg $0x60  }
0xaf: {  	[dreg:$0x2] =	wrdreg s2  }
0xb0: {  	[dreg:$0x3] =	wrdreg s24  }
0xb1: {  	[dreg:$0x4] =	wrdreg s18  }
0xb2: {  	[dreg:$0x5] =	wrdreg $0x9  }
0xb3: {  	_ =	task.clear_ibuf [dreg:s8], $0x6FFFF;
	_ =	strace $0x90000046  }
0xb4: {  	s29 =	simm.s32 $0x9;
	_ =	strace $0x80000048  }
0xb5: {  	_ =	swait.ge [sflag:s29], $0x1  }
0xb6: {  	[sflag:s29] =	ssyncadd.s32 $0xFFFFFFFF  }
0xb7: {  	_ =	strace $0x90000048  }
0xb8: {  	_ =	sfence  }
0xb9: {  	s30 =	sld [smem:$0x0];
	_ =	sdelay $0x2  }
0xba: {  	s31 =	sshll.u32 s1, $0xD;
	s1 =	sshrl.u32 s1, $0x2  }
0xbb: {  	s3 =	sand.u32 $0x4000, s31;
	s1 =	sadd.s32 s1, s30  }
0xbc: {  	s0 =	sor.u32 s3, s0;
	s1 =	sshll.u32 s1, $0x11  }
0xbd: {  	s0 =	sor.u32 s1, s0  }
0xbe: {  	s0 =	sadd.s32 $0x8F2B, s0  }
0xbf: {  	[sflag:s0] =	ssyncadd.remote.s32 $0x1  }
0xc0: {  	_ =	sfence.sel $0xFFFF  }
0xc1: {  	[dreg:$0x0] =	wrdreg $0xFFFFFFFF;
	(pc) =	sbr.abs _section_cstart, $3  }
0xc2: {  	[dreg:$0x1] =	wrdreg $0xFFFFFFFF  }
0xc3: {  	_ =	task.clear_ibuf [dreg:s8], $0x2FFFF;
	_ =	strace $0x9FFFFFFF  }
0xc4: {  	(tm) =	ssettm $0x7FFFFFFF  }
0xc5: {  	_ =	shalt  }
tec
execute0_lowered:
.L_overlay_start_1:
0x0: {  	(tag) =	ssettag $0x1  }
0x1: {  	s1 =	rddreg [dreg:$0x0]  }
0x2: {  	s0 =	rddreg [dreg:$0x1]  }
0x3: {  	s3 =	rddreg [dreg:$0x2]  }
0x4: {  	s2 =	srdreg.scid;
	s4 =	simm.s32 $0x0;
	s5 =	stileid.u32  }
0x5: {  	s14 =	simm.s32 $0x100;
	s16 =	simm.s32 $0x7;
	s17 =	simm.s32 $0x80  }
0x6: {  	s18 =	simm.s32 $0x1;
	s19 =	simm.s32 $0x8100;
	s20 =	simm.s32 $0x10100  }
0x7: {  	s21 =	simm.s32 $0x2;
	s22 =	simm.s32 $0x4;
	s23 =	simm.s32 $0x6  }
0x8: {  	s24 =	simm.s32 $0xC100;
	s28 =	simm.s32 $0x5;
	s29 =	simm.s32 $0x0  }
0x9: {  	s2 =	sand.u32 $0x1, s2;
	[smem:$0x7FF] =	sst s4;
	s5 =	sshll.u32 s5, $0x12  }
0xa: {  	s25 =	sadd.s32 $0x800, s0;
	s0 =	sadd.s32 $0xA00, s0;
	s12 =	sadd.s32 $0x10, s3  }
0xb: {  	s6 =	sshll.u32 s2, $0x11;
	_ =	strace $0x80000047;
	s2 =	ssub.s32 $0x2, s2  }
0xc: {  	[dreg:$0x4] =	wrdreg s25;
	s5 =	sor.u32 s6, s5;
	s30 =	sshrl.u32 s2, $0x1  }
0xd: {  	[dreg:$0x5] =	wrdreg s0;
	s26 =	sshrl.u32 s5, $0x3;
	s0 =	ssub.s32 s2, s30  }
0xe: {  	s25 =	simm.s32 $0x14100;
	s8 =	sadd.s32 s1, s26;
	s0 =	smax.u32 s0, $0x1  }
0xf: {  	s10 =	sor.u32 $0x4000, s5;
	s31 =	sadd.s32 $0x800, s8;
	[dreg:$0x7] =	wrdreg s0  }
0x10: {  	s11 =	sshll.u32 s5, $0x1;
	s26 =	simm.s32 $0x3;
	[dreg:$0x6] =	wrdreg s31  }
.LBB2_1:
0x11: {  	[tilespmem:s14], [sflag:$0x1] =	stream.linear.gather [hbm4b:s8+s4], $0x4000, $0x38;
	[tilespmem:$0x18100] =	vst v63  }
0x12: {  	s0 =	rddreg [dreg:$0x6];
	s2 =	simm.s32 $0x4100  }
0x13: {  	[tilespmem:s2], [sflag:$0x2] =	stream.linear.gather [hbm4b:s0+s4], $0x4000, $0x38;
	[tilespmem:$0x18100] =	vst v63  }
0x14: {  	s15 =	rddreg [dreg:$0x4]  }
0x15: {  	[tilespmem:s4], [sflag:$0x7] =	stream.linear.gather [hbm4b:s15+s4], $0x80, $0x38;
	[tilespmem:$0x18100] =	vst v63  }
0x16: {  	_ =	swait.ge [sflag:s16], $0x80  }
0x17: {  	[sflag:s16] =	ssyncset.done $0x0  }
0x18: {  	s31 =	rddreg [dreg:$0x5];
	[sflag:s16] =	ssyncadd.s32 $0xFFFFFF80  }
0x19: {  	[tilespmem:s17], [sflag:$0x7] =	stream.linear.gather [hbm4b:s31+s4], $0x80, $0x38;
	[tilespmem:$0x18100] =	vst v63  }
0x1a: {  	_ =	swait.ge [sflag:s16], $0x80  }
0x1b: {  	[sflag:s16] =	ssyncset.done $0x0  }
0x1c: {  	[sflag:s16] =	ssyncadd.s32 $0xFFFFFF80  }
0x1d: {  	v0 =	vld [tilespmem:$0x0];
	_ =	sdelay $0x4  }
0x1e: {  	v0 =	vcvt.s32.f32 v0;
	_ =	sdelay $0x1  }
0x1f: {  	(erf) = vrcp.f32 v0;
	_ =	sdelay $0x2  }
0x20: {  	v0 =	vld [tilespmem:$0x80];
	_ =	sdelay $0x4  }
0x21: {  	v1 =	vsub.f32 $1.000000000e+00, v0  }
0x22: {  	v2 =	vpop (erf)  }
0x23: {  	s30 =	simm.s32 $0x0;
	v0 =	vmul.f32 v2, v0;
	v1 =	vmul.f32 v2, v1  }
.LBB2_2:
0x24: {  	_ =	swait.ge [sflag:s18], $0x4000  }
0x25: {  	p0 =	seq.s32 s30, $0x0;
	[sflag:s18] =	ssyncset.done $0x0  }
0x26: {  	s0 =	simm.s32 @!p0 $0x3;
	[sflag:s18] =	ssyncadd.s32 $0xFFFFC000  }
0x27: {  	_ =	swait.ge @!p0 [sflag:s0], $0x4000  }
0x28: {  	[sflag:s0] =	ssyncset.done @!p0 $0x0  }
0x29: {  	[sflag:s0] =	ssyncadd.s32 @!p0 $0xFFFFC000;
	s0 =	simm.s32 @!p0 $0x5  }
0x2a: {  	_ =	swait.ge @!p0 [sflag:s0], $0x4000  }
0x2b: {  	[sflag:s0] =	ssyncset.done @!p0 $0x0  }
0x2c: {  	s7 =	simm.s32 $0x180;
	[sflag:s0] =	ssyncadd.s32 @!p0 $0xFFFFC000  }
0x2d: {  	v2 =	vld [tilespmem:s7+$0x40];
	_ =	sdelay $0x1  }
0x2e: {  	v3 =	vld [tilespmem:s7+$0xFFFFFF80];
	_ =	sdelay $0x1  }
0x2f: {  	v4 =	vld [tilespmem:s7+$0xFFFFFFC0]  }
0x30: {  	vm0 =	veq.s32 v2, $0x1  }
0x31: {  	s6 =	simm.s32 $0x8180;
	v5 =	vld [tilespmem:s7+$0x0];
	v2 =	vnsel vm0, $0x0, v0  }
0x32: {  	s31 =	simm.s32 $0x10180;
	vm14 =	veq.s32 v3, $0x1;
	[tilespmem:s6+$0x40] =	vst v2;
	v2 =	vnsel vm0, $0x0, v1  }
0x33: {  	[tilespmem:s31+$0x40] =	vst v2;
	v2 =	vnsel vm14, $0x0, v0  }
0x34: {  	vm15 =	veq.s32 v4, $0x1;
	v3 =	vnsel vm14, $0x0, v1;
	v6 =	vld [tilespmem:s7+$0x50];
	[tilespmem:s6+$0xFFFFFF80] =	vst v2  }
0x35: {  	v2 =	vnsel vm15, $0x0, v0;
	[tilespmem:s31+$0xFFFFFF80] =	vst v3  }
0x36: {  	vm1 =	veq.s32 v5, $0x1;
	v4 =	vnsel vm15, $0x0, v1;
	[tilespmem:s6+$0xFFFFFFC0] =	vst v2;
	v3 =	vld [tilespmem:s7+$0xFFFFFF90]  }
0x37: {  	v2 =	vnsel vm1, $0x0, v0;
	[tilespmem:s31+$0xFFFFFFC0] =	vst v4  }
0x38: {  	v4 =	vnsel vm1, $0x0, v1;
	[tilespmem:s6+$0x0] =	vst v2;
	v5 =	vld [tilespmem:s7+$0xFFFFFFD0]  }
0x39: {  	[tilespmem:s31+$0x0] =	vst v4;
	vm4 =	veq.s32 v6, $0x1  }
0x3a: {  	v4 =	vld [tilespmem:s7+$0x10];
	v2 =	vnsel vm4, $0x0, v0  }
0x3b: {  	[tilespmem:s6+$0x50] =	vst v2;
	v2 =	vnsel vm4, $0x0, v1;
	vm5 =	veq.s32 v3, $0x1  }
0x3c: {  	[tilespmem:s31+$0x50] =	vst v2;
	v2 =	vnsel vm5, $0x0, v0  }
0x3d: {  	v3 =	vnsel vm5, $0x0, v1;
	vm6 =	veq.s32 v5, $0x1;
	[tilespmem:s6+$0xFFFFFF90] =	vst v2  }
0x3e: {  	v6 =	vld [tilespmem:s7+$0x60];
	v2 =	vnsel vm6, $0x0, v0;
	[tilespmem:s31+$0xFFFFFF90] =	vst v3  }
0x3f: {  	v5 =	vnsel vm6, $0x0, v1;
	vm7 =	veq.s32 v4, $0x1;
	[tilespmem:s6+$0xFFFFFFD0] =	vst v2  }
0x40: {  	v2 =	vnsel vm7, $0x0, v0;
	[tilespmem:s31+$0xFFFFFFD0] =	vst v5  }
0x41: {  	v4 =	vnsel vm7, $0x0, v1;
	v3 =	vld [tilespmem:s7+$0xFFFFFFA0];
	[tilespmem:s6+$0x10] =	vst v2  }
0x42: {  	v5 =	vld [tilespmem:s7+$0xFFFFFFE0];
	[tilespmem:s31+$0x10] =	vst v4  }
0x43: {  	v4 =	vld [tilespmem:s7+$0x20];
	vm8 =	veq.s32 v6, $0x1  }
0x44: {  	v2 =	vnsel vm8, $0x0, v0  }
0x45: {  	[tilespmem:s6+$0x60] =	vst v2;
	v2 =	vnsel vm8, $0x0, v1  }
0x46: {  	vm9 =	veq.s32 v3, $0x1;
	[tilespmem:s31+$0x60] =	vst v2  }
0x47: {  	s0 =	simm.s32 $0x280;
	v2 =	vnsel vm9, $0x0, v0;
	v6 =	vld [tilespmem:s7+$0x70]  }
0x48: {  	v3 =	vnsel vm9, $0x0, v1;
	vm10 =	veq.s32 v5, $0x1;
	[tilespmem:s6+$0xFFFFFFA0] =	vst v2;
	vm11 =	veq.s32 v4, $0x1;
	v4 =	vld [tilespmem:s0+$0x40]  }
0x49: {  	v2 =	vnsel vm10, $0x0, v0;
	[tilespmem:s31+$0xFFFFFFA0] =	vst v3  }
0x4a: {  	v5 =	vnsel vm10, $0x0, v1;
	[tilespmem:s6+$0xFFFFFFE0] =	vst v2;
	v3 =	vld [tilespmem:s7+$0xFFFFFFB0]  }
0x4b: {  	v2 =	vnsel vm11, $0x0, v0;
	[tilespmem:s31+$0xFFFFFFE0] =	vst v5  }
0x4c: {  	v5 =	vnsel vm11, $0x0, v1;
	[tilespmem:s6+$0x20] =	vst v2;
	v2 =	vld [tilespmem:s0+$0xFFFFFFC0];
	vm12 =	veq.s32 v6, $0x1  }
0x4d: {  	[tilespmem:s31+$0x20] =	vst v5;
	vm14 =	veq.s32 v4, $0x1;
	v5 =	vnsel vm12, $0x0, v0  }
0x4e: {  	s15 =	simm.s32 $0x8280;
	v6 =	vld [tilespmem:s0+$0xFFFFFF80];
	v4 =	vnsel vm14, $0x0, v0;
	[tilespmem:s6+$0x70] =	vst v5  }
0x4f: {  	v5 =	vnsel vm12, $0x0, v1;
	vm13 =	veq.s32 v3, $0x1;
	[tilespmem:s15+$0x40] =	vst v4  }
0x50: {  	[tilespmem:s31+$0x70] =	vst v5;
	v3 =	vnsel vm13, $0x0, v0  }
0x51: {  	s2 =	simm.s32 $0x10280;
	vm15 =	veq.s32 v2, $0x1;
	v2 =	vnsel vm14, $0x0, v1;
	[tilespmem:s6+$0xFFFFFFB0] =	vst v3;
	v3 =	vld [tilespmem:s0+$0x0]  }
0x52: {  	v5 =	vnsel vm13, $0x0, v1;
	[tilespmem:s2+$0x40] =	vst v2  }
0x53: {  	v4 =	vld [tilespmem:s7+$0xFFFFFFF0];
	[tilespmem:s31+$0xFFFFFFB0] =	vst v5;
	v5 =	vnsel vm15, $0x0, v0;
	vm4 =	veq.s32 v6, $0x1  }
0x54: {  	v2 =	vnsel vm4, $0x0, v0;
	[tilespmem:s15+$0xFFFFFFC0] =	vst v5;
	v5 =	vld [tilespmem:s0+$0x50]  }
0x55: {  	v6 =	vnsel vm4, $0x0, v1;
	[tilespmem:s15+$0xFFFFFF80] =	vst v2  }
0x56: {  	v2 =	vnsel vm15, $0x0, v1;
	[tilespmem:s2+$0xFFFFFF80] =	vst v6;
	vm5 =	veq.s32 v3, $0x1  }
0x57: {  	[tilespmem:s2+$0xFFFFFFC0] =	vst v2;
	v6 =	vld [tilespmem:s0+$0xFFFFFF90];
	v3 =	vnsel vm5, $0x0, v0  }
0x58: {  	vm6 =	veq.s32 v4, $0x1;
	v2 =	vnsel vm5, $0x0, v1;
	[tilespmem:s15+$0x0] =	vst v3  }
0x59: {  	v3 =	vnsel vm6, $0x0, v0;
	vm7 =	veq.s32 v5, $0x1;
	[tilespmem:s2+$0x0] =	vst v2  }
0x5a: {  	v4 =	vld [tilespmem:s0+$0xFFFFFFD0];
	v2 =	vnsel vm7, $0x0, v0;
	[tilespmem:s6+$0xFFFFFFF0] =	vst v3  }
0x5b: {  	v5 =	vnsel vm6, $0x0, v1;
	v3 =	vld [tilespmem:s0+$0x10];
	[tilespmem:s15+$0x50] =	vst v2  }
0x5c: {  	v2 =	vnsel vm7, $0x0, v1;
	[tilespmem:s31+$0xFFFFFFF0] =	vst v5;
	vm8 =	veq.s32 v6, $0x1  }
0x5d: {  	[tilespmem:s2+$0x50] =	vst v2;
	v2 =	vnsel vm8, $0x0, v0  }
0x5e: {  	v6 =	vld [tilespmem:s0+$0x60];
	v5 =	vnsel vm8, $0x0, v1;
	[tilespmem:s15+$0xFFFFFF90] =	vst v2  }
0x5f: {  	vm9 =	veq.s32 v4, $0x1;
	[tilespmem:s2+$0xFFFFFF90] =	vst v5  }
0x60: {  	v4 =	vnsel vm9, $0x0, v0;
	vm10 =	veq.s32 v3, $0x1;
	v3 =	vld [tilespmem:s0+$0xFFFFFFA0]  }
0x61: {  	v2 =	vld [tilespmem:s7+$0x30];
	[tilespmem:s15+$0xFFFFFFD0] =	vst v4;
	v5 =	vnsel vm9, $0x0, v1  }
0x62: {  	[tilespmem:s2+$0xFFFFFFD0] =	vst v5;
	v4 =	vnsel vm10, $0x0, v0  }
0x63: {  	v5 =	vnsel vm10, $0x0, v1;
	[tilespmem:s15+$0x10] =	vst v4;
	vm11 =	veq.s32 v6, $0x1  }
0x64: {  	v7 =	vld [tilespmem:s0+$0xFFFFFFE0];
	[tilespmem:s2+$0x10] =	vst v5;
	v4 =	vnsel vm11, $0x0, v0  }
0x65: {  	[tilespmem:s15+$0x60] =	vst v4;
	v4 =	vnsel vm11, $0x0, v1;
	vm13 =	veq.s32 v3, $0x1  }
0x66: {  	vm12 =	veq.s32 v2, $0x1;
	v2 =	vld [tilespmem:s0+$0x20];
	[tilespmem:s2+$0x60] =	vst v4;
	v3 =	vnsel vm13, $0x0, v0  }
0x67: {  	v4 =	vnsel vm13, $0x0, v1;
	[tilespmem:s15+$0xFFFFFFA0] =	vst v3  }
0x68: {  	[tilespmem:s2+$0xFFFFFFA0] =	vst v4;
	v4 =	vld [tilespmem:s0+$0x70]  }
0x69: {  	v5 =	vnsel vm12, $0x0, v0;
	vm14 =	veq.s32 v7, $0x1  }
0x6a: {  	[tilespmem:s6+$0x30] =	vst v5;
	v3 =	vnsel vm14, $0x0, v0  }
0x6b: {  	v5 =	vnsel vm14, $0x0, v1;
	[tilespmem:s15+$0xFFFFFFE0] =	vst v3;
	vm15 =	veq.s32 v2, $0x1;
	v3 =	vld [tilespmem:s0+$0xFFFFFFB0]  }
0x6c: {  	s9 =	simm.s32 $0x380;
	s7 =	simm.s32 $0x10;
	s6 =	simm.s32 $0x8280;
	v2 =	vnsel vm12, $0x0, v1;
	[tilespmem:s2+$0xFFFFFFE0] =	vst v5;
	v6 =	vnsel vm15, $0x0, v0;
	v5 =	vnsel vm15, $0x0, v1  }
.LBB2_3:
0x6d: {  	v7 =	vld [tilespmem:s9+$0x40];
	[tilespmem:s15+$0x20] =	vst v6;
	vm0 =	veq.s32 v4, $0x1  }
0x6e: {  	v4 =	vld [tilespmem:s9+$0xFFFFFFC0];
	[tilespmem:s2+$0x20] =	vst v5;
	v5 =	vnsel vm0, $0x0, v0  }
0x6f: {  	v6 =	vld [tilespmem:s9+$0x0];
	[tilespmem:s15+$0x70] =	vst v5;
	v5 =	vnsel vm0, $0x0, v1  }
0x70: {  	v8 =	vld [tilespmem:s9+$0xFFFFFF80];
	vm0 =	veq.s32 v3, $0x1;
	[tilespmem:s2+$0x70] =	vst v5  }
0x71: {  	s7 =	sadd.s32 $0x10, s7;
	v3 =	vnsel vm0, $0x0, v0;
	v5 =	vnsel vm0, $0x0, v1;
	v9 =	vld [tilespmem:s0+$0xFFFFFFF0];
	[tilespmem:s31+$0x30] =	vst v2;
	s31 =	smov.u32 s2  }
0x72: {  	p1 =	slt.u32 s7, $0x3F0;
	vm0 =	veq.s32 v7, $0x1;
	[tilespmem:s15+$0xFFFFFFB0] =	vst v3;
	v2 =	vld [tilespmem:s0+$0x30];
	s0 =	smov.u32 s9  }
0x73: {  	s15 =	sadd.s32 $0x100, s15;
	vm1 =	veq.s32 v4, $0x1;
	v3 =	vnsel vm0, $0x0, v0;
	[tilespmem:s2+$0xFFFFFFB0] =	vst v5  }
0x74: {  	s2 =	sadd.s32 $0x100, s2;
	v4 =	vnsel vm1, $0x0, v0;
	vm2 =	veq.s32 v6, $0x1;
	[tilespmem:s15+$0x40] =	vst v3;
	v3 =	vnsel vm0, $0x0, v1  }
0x75: {  	v5 =	vnsel vm1, $0x0, v1;
	vm0 =	veq.s32 v8, $0x1;
	v6 =	vnsel vm2, $0x0, v0;
	[tilespmem:s2+$0x40] =	vst v3  }
0x76: {  	v3 =	vnsel vm0, $0x0, v0;
	v7 =	vnsel vm0, $0x0, v1;
	[tilespmem:s15+$0xFFFFFFC0] =	vst v4;
	v4 =	vnsel vm2, $0x0, v1;
	v8 =	vld [tilespmem:s9+$0x50]  }
0x77: {  	vm0 =	veq.s32 v9, $0x1;
	[tilespmem:s15+$0xFFFFFF80] =	vst v3;
	vm1 =	veq.s32 v2, $0x1  }
0x78: {  	v3 =	vnsel vm0, $0x0, v0;
	[tilespmem:s2+$0xFFFFFF80] =	vst v7;
	v7 =	vnsel vm0, $0x0, v1;
	v9 =	vnsel vm1, $0x0, v0  }
0x79: {  	v2 =	vnsel vm1, $0x0, v1;
	v10 =	vld [tilespmem:s9+$0xFFFFFF90];
	[tilespmem:s2+$0xFFFFFFC0] =	vst v5  }
0x7a: {  	v5 =	vld [tilespmem:s9+$0xFFFFFFD0];
	[tilespmem:s15+$0x0] =	vst v6  }
0x7b: {  	[tilespmem:s2+$0x0] =	vst v4;
	vm0 =	veq.s32 v8, $0x1  }
0x7c: {  	v4 =	vld [tilespmem:s9+$0x10];
	v6 =	vnsel vm0, $0x0, v0;
	[tilespmem:s6+$0xFFFFFFF0] =	vst v3  }
0x7d: {  	v3 =	vnsel vm0, $0x0, v1;
	[tilespmem:s15+$0x50] =	vst v6  }
0x7e: {  	vm0 =	veq.s32 v10, $0x1;
	[tilespmem:s2+$0x50] =	vst v3  }
0x7f: {  	v3 =	vnsel vm0, $0x0, v0;
	v6 =	vnsel vm0, $0x0, v1;
	vm0 =	veq.s32 v5, $0x1;
	v5 =	vld [tilespmem:s9+$0x60];
	[tilespmem:s31+$0xFFFFFFF0] =	vst v7  }
0x80: {  	[tilespmem:s15+$0xFFFFFF90] =	vst v3;
	v3 =	vnsel vm0, $0x0, v0;
	v7 =	vnsel vm0, $0x0, v1  }
0x81: {  	[tilespmem:s2+$0xFFFFFF90] =	vst v6;
	vm0 =	veq.s32 v4, $0x1  }
0x82: {  	v4 =	vld [tilespmem:s9+$0xFFFFFFA0];
	[tilespmem:s15+$0xFFFFFFD0] =	vst v3;
	v3 =	vnsel vm0, $0x0, v0;
	v6 =	vnsel vm0, $0x0, v1  }
0x83: {  	[tilespmem:s2+$0xFFFFFFD0] =	vst v7  }
0x84: {  	v7 =	vld [tilespmem:s9+$0xFFFFFFE0];
	[tilespmem:s15+$0x10] =	vst v3;
	vm0 =	veq.s32 v5, $0x1  }
0x85: {  	[tilespmem:s2+$0x10] =	vst v6;
	v3 =	vnsel vm0, $0x0, v0  }
0x86: {  	v5 =	vld [tilespmem:s9+$0x20];
	[tilespmem:s15+$0x60] =	vst v3;
	v3 =	vnsel vm0, $0x0, v1  }
0x87: {  	vm0 =	veq.s32 v4, $0x1;
	[tilespmem:s2+$0x60] =	vst v3  }
.Ltmp0:
0x88: {  	v3 =	vnsel vm0, $0x0, v0;
	v6 =	vnsel vm0, $0x0, v1;
	v4 =	vld [tilespmem:s9+$0x70];
	[tilespmem:s6+$0x30] =	vst v9;
	s6 =	smov.u32 s15;
	(pc) =	sbr.rel @p1 .LBB2_3-.Ltmp0, $4  }
0x89: {  	[tilespmem:s15+$0xFFFFFFA0] =	vst v3;
	vm0 =	veq.s32 v7, $0x1  }
0x8a: {  	[tilespmem:s2+$0xFFFFFFA0] =	vst v6;
	v6 =	vnsel vm0, $0x0, v0;
	v7 =	vnsel vm0, $0x0, v1  }
0x8b: {  	v3 =	vld [tilespmem:s9+$0xFFFFFFB0];
	[tilespmem:s15+$0xFFFFFFE0] =	vst v6;
	vm0 =	veq.s32 v5, $0x1  }
0x8c: {  	s9 =	sadd.s32 $0x100, s9;
	[tilespmem:s2+$0xFFFFFFE0] =	vst v7;
	v6 =	vnsel vm0, $0x0, v0;
	v5 =	vnsel vm0, $0x0, v1  }
0x8d: {  	[tilespmem:s15+$0x20] =	vst v6;
	v61 =	vld [tilespmem:s0+$0xFFFFFFF0]  }
0x8e: {  	vm0 =	veq.s32 v4, $0x1;
	[tilespmem:s2+$0x20] =	vst v5  }
0x8f: {  	[tilespmem:s31+$0x30] =	vst v2;
	v62 =	vnsel vm0, $0x0, v0;
	v6 =	vld [tilespmem:s0+$0x30]  }
0x90: {  	v63 =	vnsel vm0, $0x0, v1;
	[tilespmem:s15+$0x70] =	vst v62;
	vm14 =	veq.s32 v3, $0x1  }
0x91: {  	[tilespmem:s2+$0x70] =	vst v63;
	v3 =	vnsel vm14, $0x0, v0  }
0x92: {  	v2 =	vnsel vm14, $0x0, v1;
	[tilespmem:s15+$0xFFFFFFB0] =	vst v3;
	vm15 =	veq.s32 v61, $0x1  }
0x93: {  	[tilespmem:s2+$0xFFFFFFB0] =	vst v2;
	v2 =	vnsel vm15, $0x0, v0  }
0x94: {  	s13 =	sshll.u32 s30, $0x10;
	v3 =	vnsel vm15, $0x0, v1;
	vm1 =	veq.s32 v6, $0x1;
	[tilespmem:s6+$0xFFFFFFF0] =	vst v2  }
0x95: {  	p1 =	sne.s32 s30, $0x3;
	s0 =	sadd.s32 s11, s13;
	v2 =	vnsel vm1, $0x0, v0;
	[tilespmem:s2+$0xFFFFFFF0] =	vst v3  }
.Ltmp1:
0x96: {  	s0 =	sshrl.u32 s0, $0x3;
	v3 =	vnsel vm1, $0x0, v1;
	[tilespmem:s6+$0x30] =	vst v2;
	(pc) =	sbr.rel @p1 .LBB2_6-.Ltmp1, $4  }
0x97: {  	s15 =	sadd.s32 s3, s0;
	[tilespmem:s2+$0x30] =	vst v3  }
0x98: {  	[hbm4b:s15+s17] =	stream.strided.scatter [tilespmem:s19], [sflag:$0x3], $0x4000, s14, s17, $0x38;
	[tilespmem:$0x18100] =	vst v63  }
0x99: {  	s31 =	sadd.s32 $0x1, s30;
	s0 =	sadd.s32 s0, s12  }
0x9a: {  	[hbm4b:s0+s17] =	stream.strided.scatter [tilespmem:s20], [sflag:$0x5], $0x4000, s14, s17, $0x38;
	[tilespmem:$0x18100] =	vst v63  }
.Ltmp2:
0x9b: {  	(pc) =	sbr.rel .LBB2_7-.Ltmp2, $4  }
0x9c: {  	_ = 	snop  }
0x9d: {  	_ =	swait.ge [sflag:s21], $0x4000  }
0x9e: {  	[sflag:s21] =	ssyncset.done $0x0  }
0x9f: {  	[sflag:s21] =	ssyncadd.s32 $0xFFFFC000  }
.LBB2_6:
0xa0: {  	s0 =	sshll.u32 s31, $0xF  }
0xa1: {  	s0 =	sadd.s32 s5, s0  }
0xa2: {  	s0 =	sshrl.u32 s0, $0x3  }
.Ltmp3:
0xa3: {  	s0 =	sadd.s32 s1, s0;
	(pc) =	sbr.rel @p0 .LBB2_8-.Ltmp3, $4  }
0xa4: {  	[tilespmem:s14], [sflag:$0x1] =	stream.linear.gather [hbm4b:s0+s4], $0x4000, $0x38;
	[tilespmem:$0x18100] =	vst v63  }
0xa5: {  	_ =	swait.ge [sflag:s21], $0x4000  }
0xa6: {  	[sflag:s21] =	ssyncset.done $0x0  }
0xa7: {  	[sflag:s21] =	ssyncadd.s32 $0xFFFFC000  }
.LBB2_7:
0xa8: {  	_ =	swait.ge [sflag:s22], $0x4000  }
0xa9: {  	[sflag:s22] =	ssyncset.done $0x0  }
0xaa: {  	[sflag:s22] =	ssyncadd.s32 $0xFFFFC000  }
0xab: {  	_ =	swait.ge [sflag:s23], $0x4000  }
0xac: {  	[sflag:s23] =	ssyncset.done $0x0  }
0xad: {  	[sflag:s23] =	ssyncadd.s32 $0xFFFFC000  }
.LBB2_8:
0xae: {  	s9 =	simm.s32 $0x4180  }
0xaf: {  	v2 =	vld [tilespmem:s9+$0x40];
	_ =	sdelay $0x1  }
0xb0: {  	v3 =	vld [tilespmem:s9+$0xFFFFFF80];
	_ =	sdelay $0x1  }
0xb1: {  	v4 =	vld [tilespmem:s9+$0xFFFFFFC0]  }
0xb2: {  	vm0 =	veq.s32 v2, $0x1  }
0xb3: {  	s7 =	simm.s32 $0xC180;
	v5 =	vld [tilespmem:s9+$0x0];
	v2 =	vnsel vm0, $0x0, v0  }
0xb4: {  	s0 =	simm.s32 $0x14180;
	vm14 =	veq.s32 v3, $0x1;
	[tilespmem:s7+$0x40] =	vst v2;
	v2 =	vnsel vm0, $0x0, v1  }
0xb5: {  	[tilespmem:s0+$0x40] =	vst v2;
	v2 =	vnsel vm14, $0x0, v0  }
0xb6: {  	vm15 =	veq.s32 v4, $0x1;
	v3 =	vnsel vm14, $0x0, v1;
	v6 =	vld [tilespmem:s9+$0x50];
	[tilespmem:s7+$0xFFFFFF80] =	vst v2  }
0xb7: {  	v2 =	vnsel vm15, $0x0, v0;
	[tilespmem:s0+$0xFFFFFF80] =	vst v3  }
0xb8: {  	vm1 =	veq.s32 v5, $0x1;
	v4 =	vnsel vm15, $0x0, v1;
	[tilespmem:s7+$0xFFFFFFC0] =	vst v2;
	v3 =	vld [tilespmem:s9+$0xFFFFFF90]  }
0xb9: {  	v2 =	vnsel vm1, $0x0, v0;
	[tilespmem:s0+$0xFFFFFFC0] =	vst v4  }
0xba: {  	v4 =	vnsel vm1, $0x0, v1;
	[tilespmem:s7+$0x0] =	vst v2;
	v5 =	vld [tilespmem:s9+$0xFFFFFFD0]  }
0xbb: {  	[tilespmem:s0+$0x0] =	vst v4;
	vm4 =	veq.s32 v6, $0x1  }
0xbc: {  	v4 =	vld [tilespmem:s9+$0x10];
	v2 =	vnsel vm4, $0x0, v0  }
0xbd: {  	[tilespmem:s7+$0x50] =	vst v2;
	v2 =	vnsel vm4, $0x0, v1;
	vm5 =	veq.s32 v3, $0x1  }
0xbe: {  	[tilespmem:s0+$0x50] =	vst v2;
	v2 =	vnsel vm5, $0x0, v0  }
0xbf: {  	v3 =	vnsel vm5, $0x0, v1;
	vm6 =	veq.s32 v5, $0x1;
	[tilespmem:s7+$0xFFFFFF90] =	vst v2  }
0xc0: {  	v6 =	vld [tilespmem:s9+$0x60];
	v2 =	vnsel vm6, $0x0, v0;
	[tilespmem:s0+$0xFFFFFF90] =	vst v3  }
0xc1: {  	v5 =	vnsel vm6, $0x0, v1;
	vm7 =	veq.s32 v4, $0x1;
	[tilespmem:s7+$0xFFFFFFD0] =	vst v2  }
0xc2: {  	v2 =	vnsel vm7, $0x0, v0;
	[tilespmem:s0+$0xFFFFFFD0] =	vst v5  }
0xc3: {  	v4 =	vnsel vm7, $0x0, v1;
	v3 =	vld [tilespmem:s9+$0xFFFFFFA0];
	[tilespmem:s7+$0x10] =	vst v2  }
0xc4: {  	v5 =	vld [tilespmem:s9+$0xFFFFFFE0];
	[tilespmem:s0+$0x10] =	vst v4  }
0xc5: {  	v4 =	vld [tilespmem:s9+$0x20];
	vm8 =	veq.s32 v6, $0x1  }
0xc6: {  	v2 =	vnsel vm8, $0x0, v0  }
0xc7: {  	[tilespmem:s7+$0x60] =	vst v2;
	v2 =	vnsel vm8, $0x0, v1  }
0xc8: {  	vm9 =	veq.s32 v3, $0x1;
	[tilespmem:s0+$0x60] =	vst v2  }
0xc9: {  	s2 =	simm.s32 $0x4280;
	v2 =	vnsel vm9, $0x0, v0;
	v6 =	vld [tilespmem:s9+$0x70]  }
0xca: {  	v3 =	vnsel vm9, $0x0, v1;
	vm10 =	veq.s32 v5, $0x1;
	[tilespmem:s7+$0xFFFFFFA0] =	vst v2;
	vm11 =	veq.s32 v4, $0x1;
	v4 =	vld [tilespmem:s2+$0x40]  }
0xcb: {  	v2 =	vnsel vm10, $0x0, v0;
	[tilespmem:s0+$0xFFFFFFA0] =	vst v3  }
0xcc: {  	v5 =	vnsel vm10, $0x0, v1;
	[tilespmem:s7+$0xFFFFFFE0] =	vst v2;
	v3 =	vld [tilespmem:s9+$0xFFFFFFB0]  }
0xcd: {  	v2 =	vnsel vm11, $0x0, v0;
	[tilespmem:s0+$0xFFFFFFE0] =	vst v5  }
0xce: {  	v5 =	vnsel vm11, $0x0, v1;
	[tilespmem:s7+$0x20] =	vst v2;
	v2 =	vld [tilespmem:s2+$0xFFFFFFC0];
	vm12 =	veq.s32 v6, $0x1  }
0xcf: {  	[tilespmem:s0+$0x20] =	vst v5;
	vm14 =	veq.s32 v4, $0x1;
	v5 =	vnsel vm12, $0x0, v0  }
0xd0: {  	s6 =	simm.s32 $0xC280;
	v6 =	vld [tilespmem:s2+$0xFFFFFF80];
	v4 =	vnsel vm14, $0x0, v0;
	[tilespmem:s7+$0x70] =	vst v5  }
0xd1: {  	v5 =	vnsel vm12, $0x0, v1;
	vm13 =	veq.s32 v3, $0x1;
	[tilespmem:s6+$0x40] =	vst v4  }
0xd2: {  	[tilespmem:s0+$0x70] =	vst v5;
	v3 =	vnsel vm13, $0x0, v0  }
0xd3: {  	s15 =	simm.s32 $0x14280;
	vm15 =	veq.s32 v2, $0x1;
	v2 =	vnsel vm14, $0x0, v1;
	[tilespmem:s7+$0xFFFFFFB0] =	vst v3;
	v3 =	vld [tilespmem:s2+$0x0]  }
0xd4: {  	v5 =	vnsel vm13, $0x0, v1;
	[tilespmem:s15+$0x40] =	vst v2  }
0xd5: {  	v4 =	vld [tilespmem:s9+$0xFFFFFFF0];
	[tilespmem:s0+$0xFFFFFFB0] =	vst v5;
	v5 =	vnsel vm15, $0x0, v0;
	vm4 =	veq.s32 v6, $0x1  }
0xd6: {  	v2 =	vnsel vm4, $0x0, v0;
	[tilespmem:s6+$0xFFFFFFC0] =	vst v5;
	v5 =	vld [tilespmem:s2+$0x50]  }
0xd7: {  	v6 =	vnsel vm4, $0x0, v1;
	[tilespmem:s6+$0xFFFFFF80] =	vst v2  }
0xd8: {  	v2 =	vnsel vm15, $0x0, v1;
	[tilespmem:s15+$0xFFFFFF80] =	vst v6;
	vm5 =	veq.s32 v3, $0x1  }
0xd9: {  	[tilespmem:s15+$0xFFFFFFC0] =	vst v2;
	v6 =	vld [tilespmem:s2+$0xFFFFFF90];
	v3 =	vnsel vm5, $0x0, v0  }
0xda: {  	vm6 =	veq.s32 v4, $0x1;
	v2 =	vnsel vm5, $0x0, v1;
	[tilespmem:s6+$0x0] =	vst v3  }
0xdb: {  	v3 =	vnsel vm6, $0x0, v0;
	vm7 =	veq.s32 v5, $0x1;
	[tilespmem:s15+$0x0] =	vst v2  }
0xdc: {  	v4 =	vld [tilespmem:s2+$0xFFFFFFD0];
	v2 =	vnsel vm7, $0x0, v0;
	[tilespmem:s7+$0xFFFFFFF0] =	vst v3  }
0xdd: {  	v5 =	vnsel vm6, $0x0, v1;
	v3 =	vld [tilespmem:s2+$0x10];
	[tilespmem:s6+$0x50] =	vst v2  }
0xde: {  	v2 =	vnsel vm7, $0x0, v1;
	[tilespmem:s0+$0xFFFFFFF0] =	vst v5;
	vm8 =	veq.s32 v6, $0x1  }
0xdf: {  	[tilespmem:s15+$0x50] =	vst v2;
	v2 =	vnsel vm8, $0x0, v0  }
0xe0: {  	v6 =	vld [tilespmem:s2+$0x60];
	v5 =	vnsel vm8, $0x0, v1;
	[tilespmem:s6+$0xFFFFFF90] =	vst v2  }
0xe1: {  	vm9 =	veq.s32 v4, $0x1;
	[tilespmem:s15+$0xFFFFFF90] =	vst v5  }
0xe2: {  	v4 =	vnsel vm9, $0x0, v0;
	vm10 =	veq.s32 v3, $0x1;
	v3 =	vld [tilespmem:s2+$0xFFFFFFA0]  }
0xe3: {  	v2 =	vld [tilespmem:s9+$0x30];
	[tilespmem:s6+$0xFFFFFFD0] =	vst v4;
	v5 =	vnsel vm9, $0x0, v1  }
0xe4: {  	[tilespmem:s15+$0xFFFFFFD0] =	vst v5;
	v4 =	vnsel vm10, $0x0, v0  }
0xe5: {  	v5 =	vnsel vm10, $0x0, v1;
	[tilespmem:s6+$0x10] =	vst v4;
	vm11 =	veq.s32 v6, $0x1  }
0xe6: {  	v7 =	vld [tilespmem:s2+$0xFFFFFFE0];
	[tilespmem:s15+$0x10] =	vst v5;
	v4 =	vnsel vm11, $0x0, v0  }
0xe7: {  	[tilespmem:s6+$0x60] =	vst v4;
	v4 =	vnsel vm11, $0x0, v1;
	vm13 =	veq.s32 v3, $0x1  }
0xe8: {  	vm12 =	veq.s32 v2, $0x1;
	v2 =	vld [tilespmem:s2+$0x20];
	[tilespmem:s15+$0x60] =	vst v4;
	v3 =	vnsel vm13, $0x0, v0  }
0xe9: {  	v4 =	vnsel vm13, $0x0, v1;
	[tilespmem:s6+$0xFFFFFFA0] =	vst v3  }
0xea: {  	[tilespmem:s15+$0xFFFFFFA0] =	vst v4;
	v4 =	vld [tilespmem:s2+$0x70]  }
0xeb: {  	v5 =	vnsel vm12, $0x0, v0;
	vm14 =	veq.s32 v7, $0x1  }
0xec: {  	[tilespmem:s7+$0x30] =	vst v5;
	v3 =	vnsel vm14, $0x0, v0  }
0xed: {  	v5 =	vnsel vm14, $0x0, v1;
	[tilespmem:s6+$0xFFFFFFE0] =	vst v3;
	vm15 =	veq.s32 v2, $0x1;
	v3 =	vld [tilespmem:s2+$0xFFFFFFB0]  }
0xee: {  	s13 =	simm.s32 $0x4380;
	s9 =	simm.s32 $0x10;
	s7 =	simm.s32 $0xC280;
	v2 =	vnsel vm12, $0x0, v1;
	[tilespmem:s15+$0xFFFFFFE0] =	vst v5;
	v6 =	vnsel vm15, $0x0, v0;
	v5 =	vnsel vm15, $0x0, v1  }
.LBB2_9:
0xef: {  	v7 =	vld [tilespmem:s13+$0x40];
	[tilespmem:s6+$0x20] =	vst v6;
	vm0 =	veq.s32 v4, $0x1  }
0xf0: {  	v4 =	vld [tilespmem:s13+$0xFFFFFFC0];
	[tilespmem:s15+$0x20] =	vst v5;
	v5 =	vnsel vm0, $0x0, v0  }
0xf1: {  	v6 =	vld [tilespmem:s13+$0x0];
	[tilespmem:s6+$0x70] =	vst v5;
	v5 =	vnsel vm0, $0x0, v1  }
0xf2: {  	v8 =	vld [tilespmem:s13+$0xFFFFFF80];
	vm0 =	veq.s32 v3, $0x1;
	[tilespmem:s15+$0x70] =	vst v5  }
0xf3: {  	s9 =	sadd.s32 $0x10, s9;
	v3 =	vnsel vm0, $0x0, v0;
	v5 =	vnsel vm0, $0x0, v1;
	v9 =	vld [tilespmem:s2+$0xFFFFFFF0];
	[tilespmem:s0+$0x30] =	vst v2;
	s0 =	smov.u32 s15  }
0xf4: {  	p0 =	slt.u32 s9, $0x3F0;
	vm0 =	veq.s32 v7, $0x1;
	[tilespmem:s6+$0xFFFFFFB0] =	vst v3;
	v2 =	vld [tilespmem:s2+$0x30];
	s2 =	smov.u32 s13  }
0xf5: {  	s6 =	sadd.s32 $0x100, s6;
	vm1 =	veq.s32 v4, $0x1;
	v3 =	vnsel vm0, $0x0, v0;
	[tilespmem:s15+$0xFFFFFFB0] =	vst v5  }
0xf6: {  	s15 =	sadd.s32 $0x100, s15;
	v4 =	vnsel vm1, $0x0, v0;
	vm2 =	veq.s32 v6, $0x1;
	[tilespmem:s6+$0x40] =	vst v3;
	v3 =	vnsel vm0, $0x0, v1  }
0xf7: {  	v5 =	vnsel vm1, $0x0, v1;
	vm0 =	veq.s32 v8, $0x1;
	v6 =	vnsel vm2, $0x0, v0;
	[tilespmem:s15+$0x40] =	vst v3  }
0xf8: {  	v3 =	vnsel vm0, $0x0, v0;
	v7 =	vnsel vm0, $0x0, v1;
	[tilespmem:s6+$0xFFFFFFC0] =	vst v4;
	v4 =	vnsel vm2, $0x0, v1;
	v8 =	vld [tilespmem:s13+$0x50]  }
0xf9: {  	vm0 =	veq.s32 v9, $0x1;
	[tilespmem:s6+$0xFFFFFF80] =	vst v3;
	vm1 =	veq.s32 v2, $0x1  }
0xfa: {  	v3 =	vnsel vm0, $0x0, v0;
	[tilespmem:s15+$0xFFFFFF80] =	vst v7;
	v7 =	vnsel vm0, $0x0, v1;
	v9 =	vnsel vm1, $0x0, v0  }
0xfb: {  	v2 =	vnsel vm1, $0x0, v1;
	v10 =	vld [tilespmem:s13+$0xFFFFFF90];
	[tilespmem:s15+$0xFFFFFFC0] =	vst v5  }
0xfc: {  	v5 =	vld [tilespmem:s13+$0xFFFFFFD0];
	[tilespmem:s6+$0x0] =	vst v6  }
0xfd: {  	[tilespmem:s15+$0x0] =	vst v4;
	vm0 =	veq.s32 v8, $0x1  }
0xfe: {  	v4 =	vld [tilespmem:s13+$0x10];
	v6 =	vnsel vm0, $0x0, v0;
	[tilespmem:s7+$0xFFFFFFF0] =	vst v3  }
0xff: {  	v3 =	vnsel vm0, $0x0, v1;
	[tilespmem:s6+$0x50] =	vst v6  }
0x100: {  	vm0 =	veq.s32 v10, $0x1;
	[tilespmem:s15+$0x50] =	vst v3  }
0x101: {  	v3 =	vnsel vm0, $0x0, v0;
	v6 =	vnsel vm0, $0x0, v1;
	vm0 =	veq.s32 v5, $0x1;
	v5 =	vld [tilespmem:s13+$0x60];
	[tilespmem:s0+$0xFFFFFFF0] =	vst v7  }
0x102: {  	[tilespmem:s6+$0xFFFFFF90] =	vst v3;
	v3 =	vnsel vm0, $0x0, v0;
	v7 =	vnsel vm0, $0x0, v1  }
0x103: {  	[tilespmem:s15+$0xFFFFFF90] =	vst v6;
	vm0 =	veq.s32 v4, $0x1  }
0x104: {  	v4 =	vld [tilespmem:s13+$0xFFFFFFA0];
	[tilespmem:s6+$0xFFFFFFD0] =	vst v3;
	v3 =	vnsel vm0, $0x0, v0;
	v6 =	vnsel vm0, $0x0, v1  }
0x105: {  	[tilespmem:s15+$0xFFFFFFD0] =	vst v7  }
0x106: {  	v7 =	vld [tilespmem:s13+$0xFFFFFFE0];
	[tilespmem:s6+$0x10] =	vst v3;
	vm0 =	veq.s32 v5, $0x1  }
0x107: {  	[tilespmem:s15+$0x10] =	vst v6;
	v3 =	vnsel vm0, $0x0, v0  }
0x108: {  	v5 =	vld [tilespmem:s13+$0x20];
	[tilespmem:s6+$0x60] =	vst v3;
	v3 =	vnsel vm0, $0x0, v1  }
0x109: {  	vm0 =	veq.s32 v4, $0x1;
	[tilespmem:s15+$0x60] =	vst v3  }
.Ltmp4:
0x10a: {  	v3 =	vnsel vm0, $0x0, v0;
	v6 =	vnsel vm0, $0x0, v1;
	v4 =	vld [tilespmem:s13+$0x70];
	[tilespmem:s7+$0x30] =	vst v9;
	s7 =	smov.u32 s6;
	(pc) =	sbr.rel @p0 .LBB2_9-.Ltmp4, $4  }
0x10b: {  	[tilespmem:s6+$0xFFFFFFA0] =	vst v3;
	vm0 =	veq.s32 v7, $0x1  }
0x10c: {  	[tilespmem:s15+$0xFFFFFFA0] =	vst v6;
	v6 =	vnsel vm0, $0x0, v0;
	v7 =	vnsel vm0, $0x0, v1  }
0x10d: {  	v3 =	vld [tilespmem:s13+$0xFFFFFFB0];
	[tilespmem:s6+$0xFFFFFFE0] =	vst v6;
	vm0 =	veq.s32 v5, $0x1  }
0x10e: {  	s13 =	sadd.s32 $0x100, s13;
	[tilespmem:s15+$0xFFFFFFE0] =	vst v7;
	v6 =	vnsel vm0, $0x0, v0;
	v5 =	vnsel vm0, $0x0, v1  }
0x10f: {  	[tilespmem:s6+$0x20] =	vst v6;
	v61 =	vld [tilespmem:s2+$0xFFFFFFF0]  }
0x110: {  	vm0 =	veq.s32 v4, $0x1;
	[tilespmem:s15+$0x20] =	vst v5  }
0x111: {  	[tilespmem:s0+$0x30] =	vst v2;
	v62 =	vnsel vm0, $0x0, v0;
	v6 =	vld [tilespmem:s2+$0x30]  }
0x112: {  	v63 =	vnsel vm0, $0x0, v1;
	[tilespmem:s6+$0x70] =	vst v62;
	vm14 =	veq.s32 v3, $0x1  }
0x113: {  	[tilespmem:s15+$0x70] =	vst v63;
	v3 =	vnsel vm14, $0x0, v0  }
0x114: {  	v2 =	vnsel vm14, $0x0, v1;
	[tilespmem:s6+$0xFFFFFFB0] =	vst v3;
	vm15 =	veq.s32 v61, $0x1  }
0x115: {  	[tilespmem:s15+$0xFFFFFFB0] =	vst v2;
	v2 =	vnsel vm15, $0x0, v0  }
0x116: {  	s13 =	sshll.u32 s30, $0xF;
	v3 =	vnsel vm15, $0x0, v1;
	vm1 =	veq.s32 v6, $0x1;
	[tilespmem:s7+$0xFFFFFFF0] =	vst v2  }
0x117: {  	s0 =	sadd.s32 s10, s13;
	v2 =	vnsel vm1, $0x0, v0;
	[tilespmem:s15+$0xFFFFFFF0] =	vst v3  }
0x118: {  	s0 =	sshrl.u32 s0, $0x2;
	v3 =	vnsel vm1, $0x0, v1;
	[tilespmem:s7+$0x30] =	vst v2  }
0x119: {  	[tilespmem:s15+$0x30] =	vst v3;
	s15 =	sadd.s32 s3, s0  }
0x11a: {  	[hbm4b:s15+s17] =	stream.strided.scatter [tilespmem:s24], [sflag:$0x4], $0x4000, s14, s17, $0x38;
	[tilespmem:$0x18100] =	vst v63  }
0x11b: {  	p0 =	seq.s32 s30, $0x3;
	s0 =	sadd.s32 s0, s12  }
0x11c: {  	[hbm4b:s0+s17] =	stream.strided.scatter [tilespmem:s25], [sflag:$0x6], $0x4000, s14, s17, $0x38;
	[tilespmem:$0x18100] =	vst v63  }
0x11d: {  	s0 =	sshll.u32 @!p0 s31, $0xF  }
0x11e: {  	s0 =	sadd.s32 @!p0 s0, s10  }
0x11f: {  	p1 =	sne.s32 @!p0 s31, $0x4;
	s0 =	sshrl.u32 @!p0 s0, $0x3  }
0x120: {  	s2 =	simm.s32 @!p0 $0x0;
	s6 =	simm.s32 @!p0 $0x4100;
	s0 =	sadd.s32 @!p0 s1, s0  }
0x121: {  	[tilespmem:s6], [sflag:$0x2] =	stream.linear.gather @!p0 [hbm4b:s0+s2], $0x4000, $0x38;
	[tilespmem:$0x18100] =	vst v63  }
0x122: {  	p0 =	por p0, !p1  }
.Ltmp5:
0x123: {  	_ = 	snop;
	(pc) =	sbr.rel @!p0 .LBB2_2-.Ltmp5, $2  }
0x124: {  	_ =	sdelay $0x2  }
0x125: {  	s30 =	smov.u32 s31  }
0x126: {  	_ =	swait.ge [sflag:s26], $0x4000  }
0x127: {  	[sflag:s26] =	ssyncset.done $0x0  }
0x128: {  	[sflag:s26] =	ssyncadd.s32 $0xFFFFC000  }
0x129: {  	_ =	swait.ge [sflag:s28], $0x4000  }
0x12a: {  	[sflag:s28] =	ssyncset.done $0x0  }
0x12b: {  	[sflag:s28] =	ssyncadd.s32 $0xFFFFC000  }
0x12c: {  	_ =	swait.ge [sflag:s22], $0x4000  }
0x12d: {  	[sflag:s22] =	ssyncset.done $0x0  }
0x12e: {  	[sflag:s22] =	ssyncadd.s32 $0xFFFFC000  }
0x12f: {  	_ =	swait.ge [sflag:s23], $0x4000  }
0x130: {  	s29 =	sadd.s32 $0x1, s29;
	s0 =	rddreg [dreg:$0x7]  }
0x131: {  	p0 =	sne.s32 s29, s0  }
.Ltmp6:
0x132: {  	_ = 	snop;
	(pc) =	sbr.rel @p0 .LBB2_1-.Ltmp6, $3  }
0x133: {  	_ =	sdelay $0x1  }
0x134: {  	[sflag:s23] =	ssyncset.done $0x0  }
0x135: {  	[sflag:s23] =	ssyncadd.s32 $0xFFFFC000  }
0x136: {  	_ =	sfence.sel $0x180000  }
0x137: {  	[bflag:$0x0] =	sbarrier.arrive $0xFFFF  }
0x138: {  	_ =	strace $0x90000047  }
0x139: {  	s0 =	stileid.u32;
	[bflag:$0x2] =	sbarrier.arrive $0xFFFF  }
0x13a: {  	p0 =	sne.s32 s0, $0x0;
	s0 =	rddreg [dreg:$0x3]  }
0x13b: {  	s0 =	sadd.s32 @!p0 $0x100000, s0  }
0x13c: {  	[sflag:s0] =	ssyncadd.tile.s32 @!p0 $0x1;
	_ =	shalt  }
.Lfunc_end2:
_tile_overlayer_lowered:
.L_overlay_start_2:
0x13d: {  	(tag) =	ssettag $0x2  }
0x13e: {  	s0 =	rddreg [dreg:$0x0];
	s2 =	stileid.u32  }
0x13f: {  	s1 =	rddreg [dreg:$0x1];
	p0 =	sne.s32 s2, $0x0  }
0x140: {  	s3 =	rddreg [dreg:$0x2];
	[bflag:$0x3] =	sbarrier.arrive $0xFFFF;
	s2 =	simm.s32 @!p0 $0x1C07  }
0x141: {  	[timem:s3], [sflag:s2] =	dma.local @!p0 [hbm:s0], s1  }
0x142: {  	s0 =	simm.s32 @!p0 $0x7  }
0x143: {  	_ =	swait.ge @!p0 [sflag:s0], s1  }
0x144: {  	s1 =	ssub.s32 @!p0 $0x0, s1;
	[sflag:s0] =	ssyncset.done @!p0 $0x0  }
0x145: {  	[sflag:s0] =	ssyncadd.s32 @!p0 s1  }
0x146: {  	[bflag:$0x3] =	sbarrier.arrive $0xFFFF  }
0x147: {  	_ =	shalt  }

</sc_bundles>
